<compile_context>
chip_gen: v7x
topology: tpu7x:2x2x1
jax: 0.10.2.dev20260603
libtpu: 0.0.44.dev20260713+nightly
codegen_flags: <defaults>
</compile_context>

<pallas_src>
import functools

import jax
import jax.numpy as jnp
from jax import lax
from jax.experimental import pallas as pl
from jax.experimental.pallas import tpu as pltpu
from jax.experimental.pallas import tpu_sc as plsc

H = 4
F = 32
HF = H * F
NC = 2
NS = 16
NW = NC * NS
C = 80


def _leaky(x):
    return jnp.where(x >= 0.0, x, 0.2 * x)




def _stage_a_body(nblk, x_ref, wp_ref, asrc_ref, atgt_ref, wskip_ref,
                  proj_ref, ss_ref, st_ref, skip_ref, m_ref, mx_ref):
    i = pl.program_id(0)
    xb = x_ref[...]
    dot = functools.partial(
        lax.dot_general,
        dimension_numbers=(((1,), (0,)), ((), ())),
        preferred_element_type=jnp.float32,
        precision=lax.Precision.HIGHEST,
    )
    proj = dot(xb, wp_ref[...])
    proj_ref[...] = proj
    ss = dot(proj, asrc_ref[...])
    ss_ref[...] = ss
    st = dot(proj, atgt_ref[...])
    st_ref[...] = st
    skip_ref[...] = dot(xb, wskip_ref[...])
    m1 = jnp.max(ss)
    m2 = jnp.max(st)

    @pl.when(i == 0)
    def _():
        mx_ref[0] = m1
        mx_ref[1] = m2

    @pl.when(i > 0)
    def _():
        mx_ref[0] = jnp.maximum(mx_ref[0], m1)
        mx_ref[1] = jnp.maximum(mx_ref[1], m2)

    @pl.when(i == nblk - 1)
    def _():
        m_ref[...] = jnp.full((8, 128), _leaky(mx_ref[0] + mx_ref[1]),
                              jnp.float32)


def _stage_a(x, Wp, Asrc16, Atgt16, Wskip, N):
    R = 1000
    nblk = N // R
    return pl.pallas_call(
        functools.partial(_stage_a_body, nblk),
        grid=(nblk,),
        in_specs=[
            pl.BlockSpec((R, HF), lambda i: (i, 0)),
            pl.BlockSpec((HF, HF), lambda i: (0, 0)),
            pl.BlockSpec((HF, 16), lambda i: (0, 0)),
            pl.BlockSpec((HF, 16), lambda i: (0, 0)),
            pl.BlockSpec((HF, HF), lambda i: (0, 0)),
        ],
        out_specs=[
            pl.BlockSpec((R, HF), lambda i: (i, 0)),
            pl.BlockSpec((R, 16), lambda i: (i, 0)),
            pl.BlockSpec((R, 16), lambda i: (i, 0)),
            pl.BlockSpec((R, HF), lambda i: (i, 0)),
            pl.BlockSpec((8, 128), lambda i: (0, 0)),
        ],
        out_shape=[
            jax.ShapeDtypeStruct((N, HF), jnp.float32),
            jax.ShapeDtypeStruct((N, 16), jnp.float32),
            jax.ShapeDtypeStruct((N, 16), jnp.float32),
            jax.ShapeDtypeStruct((N, HF), jnp.float32),
            jax.ShapeDtypeStruct((8, 128), jnp.float32),
        ],
        scratch_shapes=[pltpu.SMEM((2,), jnp.float32)],
    )(x, Wp, Asrc16, Atgt16, Wskip)




def _edge_pass(proj, ssrc, stgt, esrc, etgt, m16, zerosA, zerosD, N, NP, E):
    EW = E // NW
    NCH = EW // C
    NZR = NP // NS
    mesh = plsc.VectorSubcoreMesh(core_axis_name="c", subcore_axis_name="s",
                                  num_cores=NC, num_subcores=NS)

    @functools.partial(
        pl.kernel,
        out_type=(
            jax.ShapeDtypeStruct((NC, NP, HF), jnp.float32),
            jax.ShapeDtypeStruct((NC, NP, 16), jnp.float32),
        ),
        mesh=mesh,
        scratch_types=[
            pltpu.VMEM_SHARED((NP, HF), jnp.float32),
            pltpu.VMEM_SHARED((NP, 16), jnp.float32),
            pltpu.VMEM((C,), jnp.int32),
            pltpu.VMEM((C,), jnp.int32),
            pltpu.VMEM((C, HF), jnp.float32),
            pltpu.VMEM((C, 16), jnp.float32),
            pltpu.VMEM((C, 16), jnp.float32),
            pltpu.VMEM((C, 16), jnp.float32),
            pltpu.VMEM((C,), jnp.int32),
            pltpu.VMEM((C,), jnp.int32),
            pltpu.VMEM((C, HF), jnp.float32),
            pltpu.VMEM((C, 16), jnp.float32),
            pltpu.VMEM((C, 16), jnp.float32),
            pltpu.VMEM((16,), jnp.float32),
            pltpu.SemaphoreType.DMA,
            pltpu.SemaphoreType.DMA,
        ],
        compiler_params=pltpu.CompilerParams(use_tc_tiling_on_sc=False,
                                             needs_layout_passes=False),
    )
    def k(proj_hbm, ssrc_hbm, stgt_hbm, esrc_hbm, etgt_hbm, m_hbm,
          zerosA_hbm, zerosD_hbm, acc_out, den_out,
          acc_sh, den_sh, src_v, tgt_v, pbuf, wbuf, ssb, stb,
          src_v2, tgt_v2, pbuf2, ssb2, stb2, m_v, semA, semB):
        cid = lax.axis_index("c")
        sid = lax.axis_index("s")
        wid = cid * NS + sid
        r0 = sid * NZR
        pltpu.sync_copy(zerosA_hbm, pbuf)
        pltpu.sync_copy(zerosD_hbm, wbuf)

        def zero_j(j, carry):
            pltpu.sync_copy(pbuf, acc_sh.at[pl.ds(r0 + j * C, C)])
            pltpu.sync_copy(wbuf, den_sh.at[pl.ds(r0 + j * C, C)])
            return carry

        lax.fori_loop(0, NZR // C, zero_j, 0)
        pltpu.sync_copy(m_hbm, m_v)
        m = m_v[...]
        lanes = lax.iota(jnp.int32, 16)
        maskH = lanes < H
        plsc.subcore_barrier()

        bufA = (src_v, tgt_v, pbuf, ssb, stb, semA)
        bufB = (src_v2, tgt_v2, pbuf2, ssb2, stb2, semB)

        def fire(kk, buf):
            sv, tv, pb, sb, tb, sm = buf
            off = (wid * NCH + kk) * C
            pltpu.sync_copy(esrc_hbm.at[pl.ds(off, C)], sv)
            pltpu.sync_copy(etgt_hbm.at[pl.ds(off, C)], tv)
            pltpu.async_copy(proj_hbm.at[sv], pb, sm)
            pltpu.async_copy(ssrc_hbm.at[sv], sb, sm)
            pltpu.async_copy(stgt_hbm.at[tv], tb, sm)

        def drain(buf):
            sv, tv, pb, sb, tb, sm = buf
            pltpu.make_async_copy(proj_hbm.at[sv], pb, sm).wait()
            pltpu.make_async_copy(ssrc_hbm.at[sv], sb, sm).wait()
            pltpu.make_async_copy(stgt_hbm.at[tv], tb, sm).wait()

        def compute_and_scatter(buf):
            sv, tv, pb, sb, tb, sm = buf

            def edge(e, carry2):
                ev = jnp.full((16,), e, jnp.int32)
                srow = plsc.load_gather(sb, [ev, lanes])
                trow = plsc.load_gather(tb, [ev, lanes])
                z = srow + trow
                z = jnp.where(z >= 0.0, z, 0.2 * z)
                w = jnp.where(maskH, jnp.exp(z - m), 0.0)
                plsc.store_scatter(wbuf, [ev, lanes], w)
                for h in range(H):
                    hv = jnp.full((16,), h, jnp.int32)
                    b = plsc.load_gather(wbuf, [ev, hv])
                    for t in range(2):
                        cv = lanes + (2 * h + t) * 16
                        v = plsc.load_gather(pb, [ev, cv]) * b
                        plsc.store_scatter(pb, [ev, cv], v)
                return carry2

            lax.fori_loop(0, C, edge, 0)
            pltpu.sync_copy(pb, acc_sh.at[tv], add=True)
            pltpu.sync_copy(wbuf, den_sh.at[tv], add=True)

        fire(0, bufA)

        def pair(i, carry):
            drain(bufA)
            fire(2 * i + 1, bufB)
            compute_and_scatter(bufA)
            drain(bufB)
            fire(2 * i + 2, bufA)
            compute_and_scatter(bufB)
            return carry

        lax.fori_loop(0, (NCH - 1) // 2, pair, 0)
        drain(bufA)
        compute_and_scatter(bufA)
        plsc.subcore_barrier()

        def dump_j(j, carry):
            rj = r0 + j * C
            pltpu.sync_copy(acc_sh.at[pl.ds(rj, C)], pbuf)
            pltpu.sync_copy(pbuf, acc_out.at[cid, pl.ds(rj, C)])
            pltpu.sync_copy(den_sh.at[pl.ds(rj, C)], wbuf)
            pltpu.sync_copy(wbuf, den_out.at[cid, pl.ds(rj, C)])
            return carry

        lax.fori_loop(0, NZR // C, dump_j, 0)

    return k(proj, ssrc, stgt, esrc, etgt, m16, zerosA, zerosD)




def _stage_c_body(acc_ref, den_ref, skip_ref, g2_ref, out_ref):
    a = acc_ref[0] + acc_ref[1]
    d = den_ref[0] + den_ref[1]
    d128 = lax.dot_general(d, g2_ref[...], (((1,), (0,)), ((), ())),
                           preferred_element_type=jnp.float32,
                           precision=lax.Precision.HIGHEST)
    out_ref[...] = a / (d128 + 1e-16) + skip_ref[...]


def _stage_c(accP, denP, skip, G2, N):
    R = 1000
    nblk = N // R
    return pl.pallas_call(
        _stage_c_body,
        grid=(nblk,),
        in_specs=[
            pl.BlockSpec((NC, R, HF), lambda i: (0, i, 0)),
            pl.BlockSpec((NC, R, 16), lambda i: (0, i, 0)),
            pl.BlockSpec((R, HF), lambda i: (i, 0)),
            pl.BlockSpec((16, HF), lambda i: (0, 0)),
        ],
        out_specs=pl.BlockSpec((R, HF), lambda i: (i, 0)),
        out_shape=jax.ShapeDtypeStruct((N, HF), jnp.float32),
    )(accP, denP, skip, G2)




def kernel(x, edge_index, Wp, a_src, a_tgt, Wskip):
    N = x.shape[0]
    E = edge_index.shape[1]
    eyeH = jnp.eye(H, dtype=jnp.float32)
    A_src = (a_src[0][:, :, None] * eyeH[:, None, :]).reshape(HF, H)
    A_tgt = (a_tgt[0][:, :, None] * eyeH[:, None, :]).reshape(HF, H)
    pad = jnp.zeros((HF, 16 - H), jnp.float32)
    Asrc16 = jnp.concatenate([A_src, pad], axis=1)
    Atgt16 = jnp.concatenate([A_tgt, pad], axis=1)
    G2 = jnp.concatenate(
        [jnp.kron(eyeH, jnp.ones((1, F), jnp.float32)),
         jnp.zeros((16 - H, HF), jnp.float32)], axis=0)
    esrc = edge_index[0].astype(jnp.int32)
    etgt = edge_index[1].astype(jnp.int32)
    NP = ((N + NS * C - 1) // (NS * C)) * NS * C
    zerosA = jnp.zeros((C, HF), jnp.float32)
    zerosD = jnp.zeros((C, 16), jnp.float32)

    proj, ssrc, stgt, skip, m8 = _stage_a(x, Wp, Asrc16, Atgt16, Wskip, N)
    m16 = m8.reshape(-1)[:16]
    accP, denP = _edge_pass(proj, ssrc, stgt, esrc, etgt, m16,
                            zerosA, zerosD, N, NP, E)
    return _stage_c(accP, denP, skip, G2, N)

# --- scband reference (transcript-rebuilt; emitter-appended) ---
"""Pipeline reference for scband-gatlayer-57080115364429 (READ-ONLY COPY).

The authoritative reference and input builder live on the scoring server;
editing this copy changes nothing except your own understanding.
"""

import jax, jax.numpy as jnp
import numpy as np

N = 10000
E = 320000
DIN = 128
H = 4
F = 32


def setup_inputs(seed: int = 0) -> dict:
    key = jax.random.key(seed)
    k1, k2, k3, k4, k5, k6 = jax.random.split(key, 6)
    x = jax.random.normal(k1, (N, DIN), dtype=jnp.float32)
    edge_index = jax.random.randint(k2, (2, E), 0, N)
    # xavier-uniform-ish init for learned params
    lim_p = float(np.sqrt(6.0 / (DIN + H * F)))
    Wp = jax.random.uniform(k3, (DIN, H * F), minval=-lim_p, maxval=lim_p, dtype=jnp.float32)
    lim_s = float(np.sqrt(6.0 / (H + F)))
    a_src = jax.random.uniform(k4, (1, H, F), minval=-lim_s, maxval=lim_s, dtype=jnp.float32)
    a_tgt = jax.random.uniform(k5, (1, H, F), minval=-lim_s, maxval=lim_s, dtype=jnp.float32)
    Wskip = jax.random.uniform(k6, (DIN, H * F), minval=-lim_p, maxval=lim_p, dtype=jnp.float32)
    return {"x": x, "edge_index": edge_index, "Wp": Wp, "a_src": a_src, "a_tgt": a_tgt, "Wskip": Wskip}


def reference(x, edge_index, Wp, a_src, a_tgt, Wskip):
    src = edge_index[0]
    tgt = edge_index[1]
    nb_nodes = x.shape[0]
    # linear projection (no bias)
    projected = (x @ Wp).reshape(-1, H, F)
    scores_source = jnp.sum(projected * a_src, axis=-1)  # [N, H]
    scores_target = jnp.sum(projected * a_tgt, axis=-1)  # [N, H]
    # lift to edges (gather)
    score_source_lifted = jnp.take(scores_source, src, axis=0)
    score_target_lifted = jnp.take(scores_target, tgt, axis=0)
    projected_lifted = jnp.take(projected, src, axis=0)
    score_per_edge = jax.nn.leaky_relu(score_source_lifted + score_target_lifted, negative_slope=0.2)
    # neighborhood softmax (global-max stabilized, matching torch code)
    exp_score = jnp.exp(score_per_edge - jnp.max(score_per_edge))
    neighborhood_sums = jax.ops.segment_sum(exp_score, tgt, num_segments=nb_nodes)  # [N, H]
    denominator = jnp.take(neighborhood_sums, tgt, axis=0)
    attentions_per_edge = (exp_score / (denominator + 1e-16))[..., None]  # [E, H, 1]
    weighted = projected_lifted * attentions_per_edge  # [E, H, F]
    # aggregate (scatter-add by target node)
    out_nodes = jax.ops.segment_sum(weighted, tgt, num_segments=nb_nodes)  # [N, H, F]
    # skip connection: dims differ (F=32 vs DIN=128) -> skip_proj branch
    out_nodes = out_nodes + (x @ Wskip).reshape(-1, H, F)
    # concat=True
    out = out_nodes.reshape(-1, H * F)
    # activation is None -> identity
    return out

if __name__ == "__main__":
    import jax
    _d = setup_inputs()
    print(jax.jit(kernel)(*tuple(_d.values())))

</pallas_src>

<mosaic_0001>
#map = affine_map<(d0, d1) -> (0, 0)>
#map1 = affine_map<(d0, d1) -> (0)>
#map2 = affine_map<(d0, d1) -> (0, 0, 0)>
module attributes {stable_mosaic.version = 14 : i64} {
  func.func @k(%arg0: i32, %arg1: i32, %arg2: memref<10000x128xf32, #tpu.memory_space<hbm>>, %arg3: memref<10000x16xf32, #tpu.memory_space<hbm>>, %arg4: memref<10000x16xf32, #tpu.memory_space<hbm>>, %arg5: memref<320000xi32, #tpu.memory_space<hbm>>, %arg6: memref<320000xi32, #tpu.memory_space<hbm>>, %arg7: memref<16xf32, #tpu.memory_space<hbm>>, %arg8: memref<80x128xf32, #tpu.memory_space<hbm>>, %arg9: memref<80x16xf32, #tpu.memory_space<hbm>>, %arg10: memref<2x10240x128xf32, #tpu.memory_space<hbm>>, %arg11: memref<2x10240x16xf32, #tpu.memory_space<hbm>>, %arg12: memref<10240x128xf32, #tpu.memory_space<vmem_shared>>, %arg13: memref<10240x16xf32, #tpu.memory_space<vmem_shared>>, %arg14: memref<80xi32, #tpu.memory_space<vmem>>, %arg15: memref<80xi32, #tpu.memory_space<vmem>>, %arg16: memref<80x128xf32, #tpu.memory_space<vmem>>, %arg17: memref<80x16xf32, #tpu.memory_space<vmem>>, %arg18: memref<80x16xf32, #tpu.memory_space<vmem>>, %arg19: memref<80x16xf32, #tpu.memory_space<vmem>>, %arg20: memref<80xi32, #tpu.memory_space<vmem>>, %arg21: memref<80xi32, #tpu.memory_space<vmem>>, %arg22: memref<80x128xf32, #tpu.memory_space<vmem>>, %arg23: memref<80x16xf32, #tpu.memory_space<vmem>>, %arg24: memref<80x16xf32, #tpu.memory_space<vmem>>, %arg25: memref<16xf32, #tpu.memory_space<vmem>>, %arg26: memref<!tpu.dma_semaphore, #tpu.memory_space<semaphore_mem>>, %arg27: memref<!tpu.dma_semaphore, #tpu.memory_space<semaphore_mem>>) attributes {dimension_semantics = [#tpu.dimension_semantics<core_parallel>, #tpu.dimension_semantics<subcore_parallel>], iteration_bounds = array<i64: 2, 16>, scalar_prefetch = 0 : i64, scratch_operands = 16 : i64, tpu.core_type = #tpu.core_type<sc_vector_subcore>, window_params = [{transform_indices = #map}, {transform_indices = #map}, {transform_indices = #map}, {transform_indices = #map1}, {transform_indices = #map1}, {transform_indices = #map1}, {transform_indices = #map}, {transform_indices = #map}, {transform_indices = #map2}, {transform_indices = #map2}]} {
    %mul3A = arith.constant 16 : i32
    %mul3A_0 = arith.muli %arg0, %mul3A : i32
    %add3A = arith.addi %mul3A_0, %arg1 : i32
    %mul3A_1 = arith.constant 640 : i32
    %mul3A_2 = arith.muli %arg1, %mul3A_1 : i32
    "tpu.region"() ({
      %run_scoped3A = tpu.sem_alloc : memref<!tpu.dma_semaphore, #tpu.memory_space<semaphore_mem>>
      tpu.enqueue_dma source(%arg8 : memref<80x128xf32, #tpu.memory_space<hbm>>) target(%arg16 : memref<80x128xf32, #tpu.memory_space<vmem>>) target_semaphore(%run_scoped3A : memref<!tpu.dma_semaphore, #tpu.memory_space<semaphore_mem>>)
      tpu.wait_dma2 semaphore(%run_scoped3A : memref<!tpu.dma_semaphore, #tpu.memory_space<semaphore_mem>>) src(%arg8 : memref<80x128xf32, #tpu.memory_space<hbm>>) dst(%arg16 : memref<80x128xf32, #tpu.memory_space<vmem>>)
      tpu.yield
    }) : () -> ()
    "tpu.region"() ({
      %run_scoped3A = tpu.sem_alloc : memref<!tpu.dma_semaphore, #tpu.memory_space<semaphore_mem>>
      tpu.enqueue_dma source(%arg9 : memref<80x16xf32, #tpu.memory_space<hbm>>) target(%arg17 : memref<80x16xf32, #tpu.memory_space<vmem>>) target_semaphore(%run_scoped3A : memref<!tpu.dma_semaphore, #tpu.memory_space<semaphore_mem>>)
      tpu.wait_dma2 semaphore(%run_scoped3A : memref<!tpu.dma_semaphore, #tpu.memory_space<semaphore_mem>>) src(%arg9 : memref<80x16xf32, #tpu.memory_space<hbm>>) dst(%arg17 : memref<80x16xf32, #tpu.memory_space<vmem>>)
      tpu.yield
    }) : () -> ()
    %scan3A = arith.constant 0 : i32
    %scan3A_3 = arith.constant 0 : i32
    %scan3A_4 = arith.constant 8 : i32
    %scan3A_5 = arith.addi %scan3A_3, %scan3A_4 : i32
    %scan3A_6 = arith.constant 1 : i32
    scf.for %scan3A_52 = %scan3A_3 to %scan3A_5 step %scan3A_6  : i32 {
      %mul3A_53 = arith.constant 80 : i32
      %mul3A_54 = arith.muli %scan3A_52, %mul3A_53 : i32
      %add3A_55 = arith.addi %mul3A_2, %mul3A_54 : i32
      "tpu.region"() ({
        %run_scoped3A = tpu.sem_alloc : memref<!tpu.dma_semaphore, #tpu.memory_space<semaphore_mem>>
        %dma_start3A_59 = arith.constant 0 : i32
        %dma_start3A_60 = tpu.memref_slice %arg12[%add3A_55, %dma_start3A_59] : memref<10240x128xf32, #tpu.memory_space<vmem_shared>> -> memref<80x128xf32, #tpu.memory_space<vmem_shared>>
        %dma_start3A_61 = arith.constant 0 : i32
        %dma_start3A_62 = tpu.memref_slice %arg12[%add3A_55, %dma_start3A_61] : memref<10240x128xf32, #tpu.memory_space<vmem_shared>> -> memref<80x128xf32, #tpu.memory_space<vmem_shared>>
        tpu.enqueue_dma source(%arg16 : memref<80x128xf32, #tpu.memory_space<vmem>>) target(%dma_start3A_62 : memref<80x128xf32, #tpu.memory_space<vmem_shared>>) target_semaphore(%run_scoped3A : memref<!tpu.dma_semaphore, #tpu.memory_space<semaphore_mem>>)
        %dma_wait3A_63 = arith.constant 0 : i32
        %dma_wait3A_64 = tpu.memref_slice %arg12[%add3A_55, %dma_wait3A_63] : memref<10240x128xf32, #tpu.memory_space<vmem_shared>> -> memref<80x128xf32, #tpu.memory_space<vmem_shared>>
        %dma_wait3A_65 = arith.constant 0 : i32
        %dma_wait3A_66 = tpu.memref_slice %arg12[%add3A_55, %dma_wait3A_65] : memref<10240x128xf32, #tpu.memory_space<vmem_shared>> -> memref<80x128xf32, #tpu.memory_space<vmem_shared>>
        tpu.wait_dma2 semaphore(%run_scoped3A : memref<!tpu.dma_semaphore, #tpu.memory_space<semaphore_mem>>) src(%arg16 : memref<80x128xf32, #tpu.memory_space<vmem>>) dst(%dma_wait3A_66 : memref<80x128xf32, #tpu.memory_space<vmem_shared>>)
        tpu.yield
      }) : () -> ()
      %mul3A_56 = arith.constant 80 : i32
      %mul3A_57 = arith.muli %scan3A_52, %mul3A_56 : i32
      %add3A_58 = arith.addi %mul3A_2, %mul3A_57 : i32
      "tpu.region"() ({
        %run_scoped3A = tpu.sem_alloc : memref<!tpu.dma_semaphore, #tpu.memory_space<semaphore_mem>>
        %dma_start3A_59 = arith.constant 0 : i32
        %dma_start3A_60 = tpu.memref_slice %arg13[%add3A_58, %dma_start3A_59] : memref<10240x16xf32, #tpu.memory_space<vmem_shared>> -> memref<80x16xf32, #tpu.memory_space<vmem_shared>>
        %dma_start3A_61 = arith.constant 0 : i32
        %dma_start3A_62 = tpu.memref_slice %arg13[%add3A_58, %dma_start3A_61] : memref<10240x16xf32, #tpu.memory_space<vmem_shared>> -> memref<80x16xf32, #tpu.memory_space<vmem_shared>>
        tpu.enqueue_dma source(%arg17 : memref<80x16xf32, #tpu.memory_space<vmem>>) target(%dma_start3A_62 : memref<80x16xf32, #tpu.memory_space<vmem_shared>>) target_semaphore(%run_scoped3A : memref<!tpu.dma_semaphore, #tpu.memory_space<semaphore_mem>>)
        %dma_wait3A_63 = arith.constant 0 : i32
        %dma_wait3A_64 = tpu.memref_slice %arg13[%add3A_58, %dma_wait3A_63] : memref<10240x16xf32, #tpu.memory_space<vmem_shared>> -> memref<80x16xf32, #tpu.memory_space<vmem_shared>>
        %dma_wait3A_65 = arith.constant 0 : i32
        %dma_wait3A_66 = tpu.memref_slice %arg13[%add3A_58, %dma_wait3A_65] : memref<10240x16xf32, #tpu.memory_space<vmem_shared>> -> memref<80x16xf32, #tpu.memory_space<vmem_shared>>
        tpu.wait_dma2 semaphore(%run_scoped3A : memref<!tpu.dma_semaphore, #tpu.memory_space<semaphore_mem>>) src(%arg17 : memref<80x16xf32, #tpu.memory_space<vmem>>) dst(%dma_wait3A_66 : memref<80x16xf32, #tpu.memory_space<vmem_shared>>)
        tpu.yield
      }) : () -> ()
    }
    %scan3A_7 = arith.constant 8 : i32
    "tpu.region"() ({
      %run_scoped3A = tpu.sem_alloc : memref<!tpu.dma_semaphore, #tpu.memory_space<semaphore_mem>>
      tpu.enqueue_dma source(%arg7 : memref<16xf32, #tpu.memory_space<hbm>>) target(%arg25 : memref<16xf32, #tpu.memory_space<vmem>>) target_semaphore(%run_scoped3A : memref<!tpu.dma_semaphore, #tpu.memory_space<semaphore_mem>>)
      tpu.wait_dma2 semaphore(%run_scoped3A : memref<!tpu.dma_semaphore, #tpu.memory_space<semaphore_mem>>) src(%arg7 : memref<16xf32, #tpu.memory_space<hbm>>) dst(%arg25 : memref<16xf32, #tpu.memory_space<vmem>>)
      tpu.yield
    }) : () -> ()
    %get3A = arith.constant 0 : index
    %get3A_8 = tpu.vector_load %arg25[%get3A] {strides = array<i32>} : memref<16xf32, #tpu.memory_space<vmem>>, vector<16xf32>,
    %iota3A = tpu.iota {dimensions = array<i32: 0>} : vector<16xi32>
    %lt3A = arith.constant 4 : i32
    %lt3A_9 = vector.broadcast %lt3A : i32 to vector<16xi32>
    %lt3A_10 = arith.cmpi slt, %iota3A, %lt3A_9 : vector<16xi32>
    %barrier3A = arith.constant 0 : index
    tpu.barrier barrier_id(%barrier3A)
    %mul3A_11 = arith.constant 125 : i32
    %mul3A_12 = arith.muli %add3A, %mul3A_11 : i32
    %add3A_13 = arith.constant 0 : i32
    %add3A_14 = arith.addi %mul3A_12, %add3A_13 : i32
    %mul3A_15 = arith.constant 80 : i32
    %mul3A_16 = arith.muli %add3A_14, %mul3A_15 : i32
    "tpu.region"() ({
      %run_scoped3A = tpu.sem_alloc : memref<!tpu.dma_semaphore, #tpu.memory_space<semaphore_mem>>
      %dma_start3A_52 = tpu.memref_slice %arg5[%mul3A_16] : memref<320000xi32, #tpu.memory_space<hbm>> -> memref<80xi32, #tpu.memory_space<hbm>>
      %dma_start3A_53 = tpu.memref_slice %arg5[%mul3A_16] : memref<320000xi32, #tpu.memory_space<hbm>> -> memref<80xi32, #tpu.memory_space<hbm>>
      tpu.enqueue_dma source(%dma_start3A_53 : memref<80xi32, #tpu.memory_space<hbm>>) target(%arg14 : memref<80xi32, #tpu.memory_space<vmem>>) target_semaphore(%run_scoped3A : memref<!tpu.dma_semaphore, #tpu.memory_space<semaphore_mem>>)
      %dma_wait3A_54 = tpu.memref_slice %arg5[%mul3A_16] : memref<320000xi32, #tpu.memory_space<hbm>> -> memref<80xi32, #tpu.memory_space<hbm>>
      %dma_wait3A_55 = tpu.memref_slice %arg5[%mul3A_16] : memref<320000xi32, #tpu.memory_space<hbm>> -> memref<80xi32, #tpu.memory_space<hbm>>
      tpu.wait_dma2 semaphore(%run_scoped3A : memref<!tpu.dma_semaphore, #tpu.memory_space<semaphore_mem>>) src(%dma_wait3A_55 : memref<80xi32, #tpu.memory_space<hbm>>) dst(%arg14 : memref<80xi32, #tpu.memory_space<vmem>>)
      tpu.yield
    }) : () -> ()
    "tpu.region"() ({
      %run_scoped3A = tpu.sem_alloc : memref<!tpu.dma_semaphore, #tpu.memory_space<semaphore_mem>>
      %dma_start3A_52 = tpu.memref_slice %arg6[%mul3A_16] : memref<320000xi32, #tpu.memory_space<hbm>> -> memref<80xi32, #tpu.memory_space<hbm>>
      %dma_start3A_53 = tpu.memref_slice %arg6[%mul3A_16] : memref<320000xi32, #tpu.memory_space<hbm>> -> memref<80xi32, #tpu.memory_space<hbm>>
      tpu.enqueue_dma source(%dma_start3A_53 : memref<80xi32, #tpu.memory_space<hbm>>) target(%arg15 : memref<80xi32, #tpu.memory_space<vmem>>) target_semaphore(%run_scoped3A : memref<!tpu.dma_semaphore, #tpu.memory_space<semaphore_mem>>)
      %dma_wait3A_54 = tpu.memref_slice %arg6[%mul3A_16] : memref<320000xi32, #tpu.memory_space<hbm>> -> memref<80xi32, #tpu.memory_space<hbm>>
      %dma_wait3A_55 = tpu.memref_slice %arg6[%mul3A_16] : memref<320000xi32, #tpu.memory_space<hbm>> -> memref<80xi32, #tpu.memory_space<hbm>>
      tpu.wait_dma2 semaphore(%run_scoped3A : memref<!tpu.dma_semaphore, #tpu.memory_space<semaphore_mem>>) src(%dma_wait3A_55 : memref<80xi32, #tpu.memory_space<hbm>>) dst(%arg15 : memref<80xi32, #tpu.memory_space<vmem>>)
      tpu.yield
    }) : () -> ()
    %dma_start3A = arith.constant 0 : i32
    %dma_start3A_17 = arith.constant 0 : i32
    %dma_start3A_18 = tpu.memref_slice %arg2[%dma_start3A, %dma_start3A_17] : memref<10000x128xf32, #tpu.memory_space<hbm>> -> memref<10000x128xf32, #tpu.memory_space<hbm>>
    tpu.enqueue_indirect_dma source(%dma_start3A_18 : memref<10000x128xf32, #tpu.memory_space<hbm>>) target(%arg16 : memref<80x128xf32, #tpu.memory_space<vmem>>) offsets(%arg14 : memref<80xi32, #tpu.memory_space<vmem>>) semaphore(%arg26 : memref<!tpu.dma_semaphore, #tpu.memory_space<semaphore_mem>>)
    %dma_start3A_19 = arith.constant 0 : i32
    %dma_start3A_20 = arith.constant 0 : i32
    %dma_start3A_21 = tpu.memref_slice %arg3[%dma_start3A_19, %dma_start3A_20] : memref<10000x16xf32, #tpu.memory_space<hbm>> -> memref<10000x16xf32, #tpu.memory_space<hbm>>
    tpu.enqueue_indirect_dma source(%dma_start3A_21 : memref<10000x16xf32, #tpu.memory_space<hbm>>) target(%arg18 : memref<80x16xf32, #tpu.memory_space<vmem>>) offsets(%arg14 : memref<80xi32, #tpu.memory_space<vmem>>) semaphore(%arg26 : memref<!tpu.dma_semaphore, #tpu.memory_space<semaphore_mem>>)
    %dma_start3A_22 = arith.constant 0 : i32
    %dma_start3A_23 = arith.constant 0 : i32
    %dma_start3A_24 = tpu.memref_slice %arg4[%dma_start3A_22, %dma_start3A_23] : memref<10000x16xf32, #tpu.memory_space<hbm>> -> memref<10000x16xf32, #tpu.memory_space<hbm>>
    tpu.enqueue_indirect_dma source(%dma_start3A_24 : memref<10000x16xf32, #tpu.memory_space<hbm>>) target(%arg19 : memref<80x16xf32, #tpu.memory_space<vmem>>) offsets(%arg15 : memref<80xi32, #tpu.memory_space<vmem>>) semaphore(%arg26 : memref<!tpu.dma_semaphore, #tpu.memory_space<semaphore_mem>>)
    %scan3A_25 = arith.constant 0 : i32
    %scan3A_26 = arith.constant 0 : i32
    %scan3A_27 = arith.constant 62 : i32
    %scan3A_28 = arith.addi %scan3A_26, %scan3A_27 : i32
    %scan3A_29 = arith.constant 1 : i32
    scf.for %scan3A_52 = %scan3A_26 to %scan3A_28 step %scan3A_29  : i32 {
      %dma_wait3A_53 = arith.constant 0 : i32
      %dma_wait3A_54 = arith.constant 0 : i32
      %dma_wait3A_55 = tpu.memref_slice %arg2[%dma_wait3A_53, %dma_wait3A_54] : memref<10000x128xf32, #tpu.memory_space<hbm>> -> memref<10000x128xf32, #tpu.memory_space<hbm>>
      tpu.wait_indirect_dma semaphore(%arg26 : memref<!tpu.dma_semaphore, #tpu.memory_space<semaphore_mem>>) src(%dma_wait3A_55 : memref<10000x128xf32, #tpu.memory_space<hbm>>) dst(%arg16 : memref<80x128xf32, #tpu.memory_space<vmem>>)
      %dma_wait3A_56 = arith.constant 0 : i32
      %dma_wait3A_57 = arith.constant 0 : i32
      %dma_wait3A_58 = tpu.memref_slice %arg3[%dma_wait3A_56, %dma_wait3A_57] : memref<10000x16xf32, #tpu.memory_space<hbm>> -> memref<10000x16xf32, #tpu.memory_space<hbm>>
      tpu.wait_indirect_dma semaphore(%arg26 : memref<!tpu.dma_semaphore, #tpu.memory_space<semaphore_mem>>) src(%dma_wait3A_58 : memref<10000x16xf32, #tpu.memory_space<hbm>>) dst(%arg18 : memref<80x16xf32, #tpu.memory_space<vmem>>)
      %dma_wait3A_59 = arith.constant 0 : i32
      %dma_wait3A_60 = arith.constant 0 : i32
      %dma_wait3A_61 = tpu.memref_slice %arg4[%dma_wait3A_59, %dma_wait3A_60] : memref<10000x16xf32, #tpu.memory_space<hbm>> -> memref<10000x16xf32, #tpu.memory_space<hbm>>
      tpu.wait_indirect_dma semaphore(%arg26 : memref<!tpu.dma_semaphore, #tpu.memory_space<semaphore_mem>>) src(%dma_wait3A_61 : memref<10000x16xf32, #tpu.memory_space<hbm>>) dst(%arg19 : memref<80x16xf32, #tpu.memory_space<vmem>>)
      %mul3A_62 = arith.constant 2 : i32
      %mul3A_63 = arith.muli %mul3A_62, %scan3A_52 : i32
      %add3A_64 = arith.constant 1 : i32
      %add3A_65 = arith.addi %mul3A_63, %add3A_64 : i32
      %mul3A_66 = arith.constant 125 : i32
      %mul3A_67 = arith.muli %add3A, %mul3A_66 : i32
      %add3A_68 = arith.addi %mul3A_67, %add3A_65 : i32
      %mul3A_69 = arith.constant 80 : i32
      %mul3A_70 = arith.muli %add3A_68, %mul3A_69 : i32
      "tpu.region"() ({
        %run_scoped3A = tpu.sem_alloc : memref<!tpu.dma_semaphore, #tpu.memory_space<semaphore_mem>>
        %dma_start3A_119 = tpu.memref_slice %arg5[%mul3A_70] : memref<320000xi32, #tpu.memory_space<hbm>> -> memref<80xi32, #tpu.memory_space<hbm>>
        %dma_start3A_120 = tpu.memref_slice %arg5[%mul3A_70] : memref<320000xi32, #tpu.memory_space<hbm>> -> memref<80xi32, #tpu.memory_space<hbm>>
        tpu.enqueue_dma source(%dma_start3A_120 : memref<80xi32, #tpu.memory_space<hbm>>) target(%arg20 : memref<80xi32, #tpu.memory_space<vmem>>) target_semaphore(%run_scoped3A : memref<!tpu.dma_semaphore, #tpu.memory_space<semaphore_mem>>)
        %dma_wait3A_121 = tpu.memref_slice %arg5[%mul3A_70] : memref<320000xi32, #tpu.memory_space<hbm>> -> memref<80xi32, #tpu.memory_space<hbm>>
        %dma_wait3A_122 = tpu.memref_slice %arg5[%mul3A_70] : memref<320000xi32, #tpu.memory_space<hbm>> -> memref<80xi32, #tpu.memory_space<hbm>>
        tpu.wait_dma2 semaphore(%run_scoped3A : memref<!tpu.dma_semaphore, #tpu.memory_space<semaphore_mem>>) src(%dma_wait3A_122 : memref<80xi32, #tpu.memory_space<hbm>>) dst(%arg20 : memref<80xi32, #tpu.memory_space<vmem>>)
        tpu.yield
      }) : () -> ()
      "tpu.region"() ({
        %run_scoped3A = tpu.sem_alloc : memref<!tpu.dma_semaphore, #tpu.memory_space<semaphore_mem>>
        %dma_start3A_119 = tpu.memref_slice %arg6[%mul3A_70] : memref<320000xi32, #tpu.memory_space<hbm>> -> memref<80xi32, #tpu.memory_space<hbm>>
        %dma_start3A_120 = tpu.memref_slice %arg6[%mul3A_70] : memref<320000xi32, #tpu.memory_space<hbm>> -> memref<80xi32, #tpu.memory_space<hbm>>
        tpu.enqueue_dma source(%dma_start3A_120 : memref<80xi32, #tpu.memory_space<hbm>>) target(%arg21 : memref<80xi32, #tpu.memory_space<vmem>>) target_semaphore(%run_scoped3A : memref<!tpu.dma_semaphore, #tpu.memory_space<semaphore_mem>>)
        %dma_wait3A_121 = tpu.memref_slice %arg6[%mul3A_70] : memref<320000xi32, #tpu.memory_space<hbm>> -> memref<80xi32, #tpu.memory_space<hbm>>
        %dma_wait3A_122 = tpu.memref_slice %arg6[%mul3A_70] : memref<320000xi32, #tpu.memory_space<hbm>> -> memref<80xi32, #tpu.memory_space<hbm>>
        tpu.wait_dma2 semaphore(%run_scoped3A : memref<!tpu.dma_semaphore, #tpu.memory_space<semaphore_mem>>) src(%dma_wait3A_122 : memref<80xi32, #tpu.memory_space<hbm>>) dst(%arg21 : memref<80xi32, #tpu.memory_space<vmem>>)
        tpu.yield
      }) : () -> ()
      %dma_start3A_71 = arith.constant 0 : i32
      %dma_start3A_72 = arith.constant 0 : i32
      %dma_start3A_73 = tpu.memref_slice %arg2[%dma_start3A_71, %dma_start3A_72] : memref<10000x128xf32, #tpu.memory_space<hbm>> -> memref<10000x128xf32, #tpu.memory_space<hbm>>
      tpu.enqueue_indirect_dma source(%dma_start3A_73 : memref<10000x128xf32, #tpu.memory_space<hbm>>) target(%arg22 : memref<80x128xf32, #tpu.memory_space<vmem>>) offsets(%arg20 : memref<80xi32, #tpu.memory_space<vmem>>) semaphore(%arg27 : memref<!tpu.dma_semaphore, #tpu.memory_space<semaphore_mem>>)
      %dma_start3A_74 = arith.constant 0 : i32
      %dma_start3A_75 = arith.constant 0 : i32
      %dma_start3A_76 = tpu.memref_slice %arg3[%dma_start3A_74, %dma_start3A_75] : memref<10000x16xf32, #tpu.memory_space<hbm>> -> memref<10000x16xf32, #tpu.memory_space<hbm>>
      tpu.enqueue_indirect_dma source(%dma_start3A_76 : memref<10000x16xf32, #tpu.memory_space<hbm>>) target(%arg23 : memref<80x16xf32, #tpu.memory_space<vmem>>) offsets(%arg20 : memref<80xi32, #tpu.memory_space<vmem>>) semaphore(%arg27 : memref<!tpu.dma_semaphore, #tpu.memory_space<semaphore_mem>>)
      %dma_start3A_77 = arith.constant 0 : i32
      %dma_start3A_78 = arith.constant 0 : i32
      %dma_start3A_79 = tpu.memref_slice %arg4[%dma_start3A_77, %dma_start3A_78] : memref<10000x16xf32, #tpu.memory_space<hbm>> -> memref<10000x16xf32, #tpu.memory_space<hbm>>
      tpu.enqueue_indirect_dma source(%dma_start3A_79 : memref<10000x16xf32, #tpu.memory_space<hbm>>) target(%arg24 : memref<80x16xf32, #tpu.memory_space<vmem>>) offsets(%arg21 : memref<80xi32, #tpu.memory_space<vmem>>) semaphore(%arg27 : memref<!tpu.dma_semaphore, #tpu.memory_space<semaphore_mem>>)
      %scan3A_80 = arith.constant 0 : i32
      %scan3A_81 = arith.constant 0 : i32
      %scan3A_82 = arith.constant 80 : i32
      %scan3A_83 = arith.addi %scan3A_81, %scan3A_82 : i32
      %scan3A_84 = arith.constant 1 : i32
      scf.for %scan3A_119 = %scan3A_81 to %scan3A_83 step %scan3A_84  : i32 {
        %broadcast_in_dim3A = vector.broadcast %scan3A_119 : i32 to vector<16xi32>
        %gather3A = tpu.vector_load_idx %arg18[%broadcast_in_dim3A, %iota3A] : memref<80x16xf32, #tpu.memory_space<vmem>>[vector<16xi32>, vector<16xi32>], vector<16xf32>,
        %gather3A_120 = tpu.vector_load_idx %arg19[%broadcast_in_dim3A, %iota3A] : memref<80x16xf32, #tpu.memory_space<vmem>>[vector<16xi32>, vector<16xi32>], vector<16xf32>,
        %add3A_121 = arith.addf %gather3A, %gather3A_120 : vector<16xf32>
        %ge3A = arith.constant 0.000000e+00 : f32
        %ge3A_122 = vector.broadcast %ge3A : f32 to vector<16xf32>
        %ge3A_123 = arith.cmpf oge, %add3A_121, %ge3A_122 : vector<16xf32>
        %mul3A_124 = arith.constant 2.000000e-01 : f32
        %mul3A_125 = vector.broadcast %mul3A_124 : f32 to vector<16xf32>
        %mul3A_126 = arith.mulf %mul3A_125, %add3A_121 : vector<16xf32>
        %select_n3A = arith.select %ge3A_123, %add3A_121, %mul3A_126 : vector<16xi1>, vector<16xf32>
        %sub3A = arith.subf %select_n3A, %get3A_8 : vector<16xf32>
        %exp3A = math.exp %sub3A : vector<16xf32>
        %jit3A = arith.constant 0.000000e+00 : f32
        %broadcast_in_dim3A_127 = vector.broadcast %jit3A : f32 to vector<16xf32>
        %select_n3A_128 = arith.select %lt3A_10, %exp3A, %broadcast_in_dim3A_127 : vector<16xi1>, vector<16xf32>
        tpu.vector_store_idx %arg17[%broadcast_in_dim3A, %iota3A], %select_n3A_128 : memref<80x16xf32, #tpu.memory_space<vmem>>[vector<16xi32>, vector<16xi32>], vector<16xf32>,
        %broadcast_in_dim3A_129 = arith.constant 0 : i32
        %broadcast_in_dim3A_130 = vector.broadcast %broadcast_in_dim3A_129 : i32 to vector<16xi32>
        %gather3A_131 = tpu.vector_load_idx %arg17[%broadcast_in_dim3A, %broadcast_in_dim3A_130] : memref<80x16xf32, #tpu.memory_space<vmem>>[vector<16xi32>, vector<16xi32>], vector<16xf32>,
        %add3A_132 = arith.constant 0 : i32
        %add3A_133 = vector.broadcast %add3A_132 : i32 to vector<16xi32>
        %add3A_134 = arith.addi %iota3A, %add3A_133 : vector<16xi32>
        %gather3A_135 = tpu.vector_load_idx %arg16[%broadcast_in_dim3A, %add3A_134] : memref<80x128xf32, #tpu.memory_space<vmem>>[vector<16xi32>, vector<16xi32>], vector<16xf32>,
        %mul3A_136 = arith.mulf %gather3A_135, %gather3A_131 : vector<16xf32>
        tpu.vector_store_idx %arg16[%broadcast_in_dim3A, %add3A_134], %mul3A_136 : memref<80x128xf32, #tpu.memory_space<vmem>>[vector<16xi32>, vector<16xi32>], vector<16xf32>,
        %add3A_137 = arith.constant 16 : i32
        %add3A_138 = vector.broadcast %add3A_137 : i32 to vector<16xi32>
        %add3A_139 = arith.addi %iota3A, %add3A_138 : vector<16xi32>
        %gather3A_140 = tpu.vector_load_idx %arg16[%broadcast_in_dim3A, %add3A_139] : memref<80x128xf32, #tpu.memory_space<vmem>>[vector<16xi32>, vector<16xi32>], vector<16xf32>,
        %mul3A_141 = arith.mulf %gather3A_140, %gather3A_131 : vector<16xf32>
        tpu.vector_store_idx %arg16[%broadcast_in_dim3A, %add3A_139], %mul3A_141 : memref<80x128xf32, #tpu.memory_space<vmem>>[vector<16xi32>, vector<16xi32>], vector<16xf32>,
        %broadcast_in_dim3A_142 = arith.constant 1 : i32
        %broadcast_in_dim3A_143 = vector.broadcast %broadcast_in_dim3A_142 : i32 to vector<16xi32>
        %gather3A_144 = tpu.vector_load_idx %arg17[%broadcast_in_dim3A, %broadcast_in_dim3A_143] : memref<80x16xf32, #tpu.memory_space<vmem>>[vector<16xi32>, vector<16xi32>], vector<16xf32>,
        %add3A_145 = arith.constant 32 : i32
        %add3A_146 = vector.broadcast %add3A_145 : i32 to vector<16xi32>
        %add3A_147 = arith.addi %iota3A, %add3A_146 : vector<16xi32>
        %gather3A_148 = tpu.vector_load_idx %arg16[%broadcast_in_dim3A, %add3A_147] : memref<80x128xf32, #tpu.memory_space<vmem>>[vector<16xi32>, vector<16xi32>], vector<16xf32>,
        %mul3A_149 = arith.mulf %gather3A_148, %gather3A_144 : vector<16xf32>
        tpu.vector_store_idx %arg16[%broadcast_in_dim3A, %add3A_147], %mul3A_149 : memref<80x128xf32, #tpu.memory_space<vmem>>[vector<16xi32>, vector<16xi32>], vector<16xf32>,
        %add3A_150 = arith.constant 48 : i32
        %add3A_151 = vector.broadcast %add3A_150 : i32 to vector<16xi32>
        %add3A_152 = arith.addi %iota3A, %add3A_151 : vector<16xi32>
        %gather3A_153 = tpu.vector_load_idx %arg16[%broadcast_in_dim3A, %add3A_152] : memref<80x128xf32, #tpu.memory_space<vmem>>[vector<16xi32>, vector<16xi32>], vector<16xf32>,
        %mul3A_154 = arith.mulf %gather3A_153, %gather3A_144 : vector<16xf32>
        tpu.vector_store_idx %arg16[%broadcast_in_dim3A, %add3A_152], %mul3A_154 : memref<80x128xf32, #tpu.memory_space<vmem>>[vector<16xi32>, vector<16xi32>], vector<16xf32>,
        %broadcast_in_dim3A_155 = arith.constant 2 : i32
        %broadcast_in_dim3A_156 = vector.broadcast %broadcast_in_dim3A_155 : i32 to vector<16xi32>
        %gather3A_157 = tpu.vector_load_idx %arg17[%broadcast_in_dim3A, %broadcast_in_dim3A_156] : memref<80x16xf32, #tpu.memory_space<vmem>>[vector<16xi32>, vector<16xi32>], vector<16xf32>,
        %add3A_158 = arith.constant 64 : i32
        %add3A_159 = vector.broadcast %add3A_158 : i32 to vector<16xi32>
        %add3A_160 = arith.addi %iota3A, %add3A_159 : vector<16xi32>
        %gather3A_161 = tpu.vector_load_idx %arg16[%broadcast_in_dim3A, %add3A_160] : memref<80x128xf32, #tpu.memory_space<vmem>>[vector<16xi32>, vector<16xi32>], vector<16xf32>,
        %mul3A_162 = arith.mulf %gather3A_161, %gather3A_157 : vector<16xf32>
        tpu.vector_store_idx %arg16[%broadcast_in_dim3A, %add3A_160], %mul3A_162 : memref<80x128xf32, #tpu.memory_space<vmem>>[vector<16xi32>, vector<16xi32>], vector<16xf32>,
        %add3A_163 = arith.constant 80 : i32
        %add3A_164 = vector.broadcast %add3A_163 : i32 to vector<16xi32>
        %add3A_165 = arith.addi %iota3A, %add3A_164 : vector<16xi32>
        %gather3A_166 = tpu.vector_load_idx %arg16[%broadcast_in_dim3A, %add3A_165] : memref<80x128xf32, #tpu.memory_space<vmem>>[vector<16xi32>, vector<16xi32>], vector<16xf32>,
        %mul3A_167 = arith.mulf %gather3A_166, %gather3A_157 : vector<16xf32>
        tpu.vector_store_idx %arg16[%broadcast_in_dim3A, %add3A_165], %mul3A_167 : memref<80x128xf32, #tpu.memory_space<vmem>>[vector<16xi32>, vector<16xi32>], vector<16xf32>,
        %broadcast_in_dim3A_168 = arith.constant 3 : i32
        %broadcast_in_dim3A_169 = vector.broadcast %broadcast_in_dim3A_168 : i32 to vector<16xi32>
        %gather3A_170 = tpu.vector_load_idx %arg17[%broadcast_in_dim3A, %broadcast_in_dim3A_169] : memref<80x16xf32, #tpu.memory_space<vmem>>[vector<16xi32>, vector<16xi32>], vector<16xf32>,
        %add3A_171 = arith.constant 96 : i32
        %add3A_172 = vector.broadcast %add3A_171 : i32 to vector<16xi32>
        %add3A_173 = arith.addi %iota3A, %add3A_172 : vector<16xi32>
        %gather3A_174 = tpu.vector_load_idx %arg16[%broadcast_in_dim3A, %add3A_173] : memref<80x128xf32, #tpu.memory_space<vmem>>[vector<16xi32>, vector<16xi32>], vector<16xf32>,
        %mul3A_175 = arith.mulf %gather3A_174, %gather3A_170 : vector<16xf32>
        tpu.vector_store_idx %arg16[%broadcast_in_dim3A, %add3A_173], %mul3A_175 : memref<80x128xf32, #tpu.memory_space<vmem>>[vector<16xi32>, vector<16xi32>], vector<16xf32>,
        %add3A_176 = arith.constant 112 : i32
        %add3A_177 = vector.broadcast %add3A_176 : i32 to vector<16xi32>
        %add3A_178 = arith.addi %iota3A, %add3A_177 : vector<16xi32>
        %gather3A_179 = tpu.vector_load_idx %arg16[%broadcast_in_dim3A, %add3A_178] : memref<80x128xf32, #tpu.memory_space<vmem>>[vector<16xi32>, vector<16xi32>], vector<16xf32>,
        %mul3A_180 = arith.mulf %gather3A_179, %gather3A_170 : vector<16xf32>
        tpu.vector_store_idx %arg16[%broadcast_in_dim3A, %add3A_178], %mul3A_180 : memref<80x128xf32, #tpu.memory_space<vmem>>[vector<16xi32>, vector<16xi32>], vector<16xf32>,
      }
      %scan3A_85 = arith.constant 80 : i32
      "tpu.region"() ({
        %run_scoped3A = tpu.sem_alloc : memref<!tpu.dma_semaphore, #tpu.memory_space<semaphore_mem>>
        %dma_start3A_119 = arith.constant 0 : i32
        %dma_start3A_120 = arith.constant 0 : i32
        %dma_start3A_121 = tpu.memref_slice %arg12[%dma_start3A_119, %dma_start3A_120] : memref<10240x128xf32, #tpu.memory_space<vmem_shared>> -> memref<10240x128xf32, #tpu.memory_space<vmem_shared>>
        tpu.enqueue_indirect_dma source(%arg16 : memref<80x128xf32, #tpu.memory_space<vmem>>) target(%dma_start3A_121 : memref<10240x128xf32, #tpu.memory_space<vmem_shared>>) offsets(%arg15 : memref<80xi32, #tpu.memory_space<vmem>>) semaphore(%run_scoped3A : memref<!tpu.dma_semaphore, #tpu.memory_space<semaphore_mem>>) {add = true}
        %dma_wait3A_122 = arith.constant 0 : i32
        %dma_wait3A_123 = arith.constant 0 : i32
        %dma_wait3A_124 = tpu.memref_slice %arg12[%dma_wait3A_122, %dma_wait3A_123] : memref<10240x128xf32, #tpu.memory_space<vmem_shared>> -> memref<10240x128xf32, #tpu.memory_space<vmem_shared>>
        tpu.wait_indirect_dma semaphore(%run_scoped3A : memref<!tpu.dma_semaphore, #tpu.memory_space<semaphore_mem>>) src(%arg16 : memref<80x128xf32, #tpu.memory_space<vmem>>) dst(%dma_wait3A_124 : memref<10240x128xf32, #tpu.memory_space<vmem_shared>>)
        tpu.yield
      }) : () -> ()
      "tpu.region"() ({
        %run_scoped3A = tpu.sem_alloc : memref<!tpu.dma_semaphore, #tpu.memory_space<semaphore_mem>>
        %dma_start3A_119 = arith.constant 0 : i32
        %dma_start3A_120 = arith.constant 0 : i32
        %dma_start3A_121 = tpu.memref_slice %arg13[%dma_start3A_119, %dma_start3A_120] : memref<10240x16xf32, #tpu.memory_space<vmem_shared>> -> memref<10240x16xf32, #tpu.memory_space<vmem_shared>>
        tpu.enqueue_indirect_dma source(%arg17 : memref<80x16xf32, #tpu.memory_space<vmem>>) target(%dma_start3A_121 : memref<10240x16xf32, #tpu.memory_space<vmem_shared>>) offsets(%arg15 : memref<80xi32, #tpu.memory_space<vmem>>) semaphore(%run_scoped3A : memref<!tpu.dma_semaphore, #tpu.memory_space<semaphore_mem>>) {add = true}
        %dma_wait3A_122 = arith.constant 0 : i32
        %dma_wait3A_123 = arith.constant 0 : i32
        %dma_wait3A_124 = tpu.memref_slice %arg13[%dma_wait3A_122, %dma_wait3A_123] : memref<10240x16xf32, #tpu.memory_space<vmem_shared>> -> memref<10240x16xf32, #tpu.memory_space<vmem_shared>>
        tpu.wait_indirect_dma semaphore(%run_scoped3A : memref<!tpu.dma_semaphore, #tpu.memory_space<semaphore_mem>>) src(%arg17 : memref<80x16xf32, #tpu.memory_space<vmem>>) dst(%dma_wait3A_124 : memref<10240x16xf32, #tpu.memory_space<vmem_shared>>)
        tpu.yield
      }) : () -> ()
      %dma_wait3A_86 = arith.constant 0 : i32
      %dma_wait3A_87 = arith.constant 0 : i32
      %dma_wait3A_88 = tpu.memref_slice %arg2[%dma_wait3A_86, %dma_wait3A_87] : memref<10000x128xf32, #tpu.memory_space<hbm>> -> memref<10000x128xf32, #tpu.memory_space<hbm>>
      tpu.wait_indirect_dma semaphore(%arg27 : memref<!tpu.dma_semaphore, #tpu.memory_space<semaphore_mem>>) src(%dma_wait3A_88 : memref<10000x128xf32, #tpu.memory_space<hbm>>) dst(%arg22 : memref<80x128xf32, #tpu.memory_space<vmem>>)
      %dma_wait3A_89 = arith.constant 0 : i32
      %dma_wait3A_90 = arith.constant 0 : i32
      %dma_wait3A_91 = tpu.memref_slice %arg3[%dma_wait3A_89, %dma_wait3A_90] : memref<10000x16xf32, #tpu.memory_space<hbm>> -> memref<10000x16xf32, #tpu.memory_space<hbm>>
      tpu.wait_indirect_dma semaphore(%arg27 : memref<!tpu.dma_semaphore, #tpu.memory_space<semaphore_mem>>) src(%dma_wait3A_91 : memref<10000x16xf32, #tpu.memory_space<hbm>>) dst(%arg23 : memref<80x16xf32, #tpu.memory_space<vmem>>)
      %dma_wait3A_92 = arith.constant 0 : i32
      %dma_wait3A_93 = arith.constant 0 : i32
      %dma_wait3A_94 = tpu.memref_slice %arg4[%dma_wait3A_92, %dma_wait3A_93] : memref<10000x16xf32, #tpu.memory_space<hbm>> -> memref<10000x16xf32, #tpu.memory_space<hbm>>
      tpu.wait_indirect_dma semaphore(%arg27 : memref<!tpu.dma_semaphore, #tpu.memory_space<semaphore_mem>>) src(%dma_wait3A_94 : memref<10000x16xf32, #tpu.memory_space<hbm>>) dst(%arg24 : memref<80x16xf32, #tpu.memory_space<vmem>>)
      %mul3A_95 = arith.constant 2 : i32
      %mul3A_96 = arith.muli %mul3A_95, %scan3A_52 : i32
      %add3A_97 = arith.constant 2 : i32
      %add3A_98 = arith.addi %mul3A_96, %add3A_97 : i32
      %mul3A_99 = arith.constant 125 : i32
      %mul3A_100 = arith.muli %add3A, %mul3A_99 : i32
      %add3A_101 = arith.addi %mul3A_100, %add3A_98 : i32
      %mul3A_102 = arith.constant 80 : i32
      %mul3A_103 = arith.muli %add3A_101, %mul3A_102 : i32
      "tpu.region"() ({
        %run_scoped3A = tpu.sem_alloc : memref<!tpu.dma_semaphore, #tpu.memory_space<semaphore_mem>>
        %dma_start3A_119 = tpu.memref_slice %arg5[%mul3A_103] : memref<320000xi32, #tpu.memory_space<hbm>> -> memref<80xi32, #tpu.memory_space<hbm>>
        %dma_start3A_120 = tpu.memref_slice %arg5[%mul3A_103] : memref<320000xi32, #tpu.memory_space<hbm>> -> memref<80xi32, #tpu.memory_space<hbm>>
        tpu.enqueue_dma source(%dma_start3A_120 : memref<80xi32, #tpu.memory_space<hbm>>) target(%arg14 : memref<80xi32, #tpu.memory_space<vmem>>) target_semaphore(%run_scoped3A : memref<!tpu.dma_semaphore, #tpu.memory_space<semaphore_mem>>)
        %dma_wait3A_121 = tpu.memref_slice %arg5[%mul3A_103] : memref<320000xi32, #tpu.memory_space<hbm>> -> memref<80xi32, #tpu.memory_space<hbm>>
        %dma_wait3A_122 = tpu.memref_slice %arg5[%mul3A_103] : memref<320000xi32, #tpu.memory_space<hbm>> -> memref<80xi32, #tpu.memory_space<hbm>>
        tpu.wait_dma2 semaphore(%run_scoped3A : memref<!tpu.dma_semaphore, #tpu.memory_space<semaphore_mem>>) src(%dma_wait3A_122 : memref<80xi32, #tpu.memory_space<hbm>>) dst(%arg14 : memref<80xi32, #tpu.memory_space<vmem>>)
        tpu.yield
      }) : () -> ()
      "tpu.region"() ({
        %run_scoped3A = tpu.sem_alloc : memref<!tpu.dma_semaphore, #tpu.memory_space<semaphore_mem>>
        %dma_start3A_119 = tpu.memref_slice %arg6[%mul3A_103] : memref<320000xi32, #tpu.memory_space<hbm>> -> memref<80xi32, #tpu.memory_space<hbm>>
        %dma_start3A_120 = tpu.memref_slice %arg6[%mul3A_103] : memref<320000xi32, #tpu.memory_space<hbm>> -> memref<80xi32, #tpu.memory_space<hbm>>
        tpu.enqueue_dma source(%dma_start3A_120 : memref<80xi32, #tpu.memory_space<hbm>>) target(%arg15 : memref<80xi32, #tpu.memory_space<vmem>>) target_semaphore(%run_scoped3A : memref<!tpu.dma_semaphore, #tpu.memory_space<semaphore_mem>>)
        %dma_wait3A_121 = tpu.memref_slice %arg6[%mul3A_103] : memref<320000xi32, #tpu.memory_space<hbm>> -> memref<80xi32, #tpu.memory_space<hbm>>
        %dma_wait3A_122 = tpu.memref_slice %arg6[%mul3A_103] : memref<320000xi32, #tpu.memory_space<hbm>> -> memref<80xi32, #tpu.memory_space<hbm>>
        tpu.wait_dma2 semaphore(%run_scoped3A : memref<!tpu.dma_semaphore, #tpu.memory_space<semaphore_mem>>) src(%dma_wait3A_122 : memref<80xi32, #tpu.memory_space<hbm>>) dst(%arg15 : memref<80xi32, #tpu.memory_space<vmem>>)
        tpu.yield
      }) : () -> ()
      %dma_start3A_104 = arith.constant 0 : i32
      %dma_start3A_105 = arith.constant 0 : i32
      %dma_start3A_106 = tpu.memref_slice %arg2[%dma_start3A_104, %dma_start3A_105] : memref<10000x128xf32, #tpu.memory_space<hbm>> -> memref<10000x128xf32, #tpu.memory_space<hbm>>
      tpu.enqueue_indirect_dma source(%dma_start3A_106 : memref<10000x128xf32, #tpu.memory_space<hbm>>) target(%arg16 : memref<80x128xf32, #tpu.memory_space<vmem>>) offsets(%arg14 : memref<80xi32, #tpu.memory_space<vmem>>) semaphore(%arg26 : memref<!tpu.dma_semaphore, #tpu.memory_space<semaphore_mem>>)
      %dma_start3A_107 = arith.constant 0 : i32
      %dma_start3A_108 = arith.constant 0 : i32
      %dma_start3A_109 = tpu.memref_slice %arg3[%dma_start3A_107, %dma_start3A_108] : memref<10000x16xf32, #tpu.memory_space<hbm>> -> memref<10000x16xf32, #tpu.memory_space<hbm>>
      tpu.enqueue_indirect_dma source(%dma_start3A_109 : memref<10000x16xf32, #tpu.memory_space<hbm>>) target(%arg18 : memref<80x16xf32, #tpu.memory_space<vmem>>) offsets(%arg14 : memref<80xi32, #tpu.memory_space<vmem>>) semaphore(%arg26 : memref<!tpu.dma_semaphore, #tpu.memory_space<semaphore_mem>>)
      %dma_start3A_110 = arith.constant 0 : i32
      %dma_start3A_111 = arith.constant 0 : i32
      %dma_start3A_112 = tpu.memref_slice %arg4[%dma_start3A_110, %dma_start3A_111] : memref<10000x16xf32, #tpu.memory_space<hbm>> -> memref<10000x16xf32, #tpu.memory_space<hbm>>
      tpu.enqueue_indirect_dma source(%dma_start3A_112 : memref<10000x16xf32, #tpu.memory_space<hbm>>) target(%arg19 : memref<80x16xf32, #tpu.memory_space<vmem>>) offsets(%arg15 : memref<80xi32, #tpu.memory_space<vmem>>) semaphore(%arg26 : memref<!tpu.dma_semaphore, #tpu.memory_space<semaphore_mem>>)
      %scan3A_113 = arith.constant 0 : i32
      %scan3A_114 = arith.constant 0 : i32
      %scan3A_115 = arith.constant 80 : i32
      %scan3A_116 = arith.addi %scan3A_114, %scan3A_115 : i32
      %scan3A_117 = arith.constant 1 : i32
      scf.for %scan3A_119 = %scan3A_114 to %scan3A_116 step %scan3A_117  : i32 {
        %broadcast_in_dim3A = vector.broadcast %scan3A_119 : i32 to vector<16xi32>
        %gather3A = tpu.vector_load_idx %arg23[%broadcast_in_dim3A, %iota3A] : memref<80x16xf32, #tpu.memory_space<vmem>>[vector<16xi32>, vector<16xi32>], vector<16xf32>,
        %gather3A_120 = tpu.vector_load_idx %arg24[%broadcast_in_dim3A, %iota3A] : memref<80x16xf32, #tpu.memory_space<vmem>>[vector<16xi32>, vector<16xi32>], vector<16xf32>,
        %add3A_121 = arith.addf %gather3A, %gather3A_120 : vector<16xf32>
        %ge3A = arith.constant 0.000000e+00 : f32
        %ge3A_122 = vector.broadcast %ge3A : f32 to vector<16xf32>
        %ge3A_123 = arith.cmpf oge, %add3A_121, %ge3A_122 : vector<16xf32>
        %mul3A_124 = arith.constant 2.000000e-01 : f32
        %mul3A_125 = vector.broadcast %mul3A_124 : f32 to vector<16xf32>
        %mul3A_126 = arith.mulf %mul3A_125, %add3A_121 : vector<16xf32>
        %select_n3A = arith.select %ge3A_123, %add3A_121, %mul3A_126 : vector<16xi1>, vector<16xf32>
        %sub3A = arith.subf %select_n3A, %get3A_8 : vector<16xf32>
        %exp3A = math.exp %sub3A : vector<16xf32>
        %jit3A = arith.constant 0.000000e+00 : f32
        %broadcast_in_dim3A_127 = vector.broadcast %jit3A : f32 to vector<16xf32>
        %select_n3A_128 = arith.select %lt3A_10, %exp3A, %broadcast_in_dim3A_127 : vector<16xi1>, vector<16xf32>
        tpu.vector_store_idx %arg17[%broadcast_in_dim3A, %iota3A], %select_n3A_128 : memref<80x16xf32, #tpu.memory_space<vmem>>[vector<16xi32>, vector<16xi32>], vector<16xf32>,
        %broadcast_in_dim3A_129 = arith.constant 0 : i32
        %broadcast_in_dim3A_130 = vector.broadcast %broadcast_in_dim3A_129 : i32 to vector<16xi32>
        %gather3A_131 = tpu.vector_load_idx %arg17[%broadcast_in_dim3A, %broadcast_in_dim3A_130] : memref<80x16xf32, #tpu.memory_space<vmem>>[vector<16xi32>, vector<16xi32>], vector<16xf32>,
        %add3A_132 = arith.constant 0 : i32
        %add3A_133 = vector.broadcast %add3A_132 : i32 to vector<16xi32>
        %add3A_134 = arith.addi %iota3A, %add3A_133 : vector<16xi32>
        %gather3A_135 = tpu.vector_load_idx %arg22[%broadcast_in_dim3A, %add3A_134] : memref<80x128xf32, #tpu.memory_space<vmem>>[vector<16xi32>, vector<16xi32>], vector<16xf32>,
        %mul3A_136 = arith.mulf %gather3A_135, %gather3A_131 : vector<16xf32>
        tpu.vector_store_idx %arg22[%broadcast_in_dim3A, %add3A_134], %mul3A_136 : memref<80x128xf32, #tpu.memory_space<vmem>>[vector<16xi32>, vector<16xi32>], vector<16xf32>,
        %add3A_137 = arith.constant 16 : i32
        %add3A_138 = vector.broadcast %add3A_137 : i32 to vector<16xi32>
        %add3A_139 = arith.addi %iota3A, %add3A_138 : vector<16xi32>
        %gather3A_140 = tpu.vector_load_idx %arg22[%broadcast_in_dim3A, %add3A_139] : memref<80x128xf32, #tpu.memory_space<vmem>>[vector<16xi32>, vector<16xi32>], vector<16xf32>,
        %mul3A_141 = arith.mulf %gather3A_140, %gather3A_131 : vector<16xf32>
        tpu.vector_store_idx %arg22[%broadcast_in_dim3A, %add3A_139], %mul3A_141 : memref<80x128xf32, #tpu.memory_space<vmem>>[vector<16xi32>, vector<16xi32>], vector<16xf32>,
        %broadcast_in_dim3A_142 = arith.constant 1 : i32
        %broadcast_in_dim3A_143 = vector.broadcast %broadcast_in_dim3A_142 : i32 to vector<16xi32>
        %gather3A_144 = tpu.vector_load_idx %arg17[%broadcast_in_dim3A, %broadcast_in_dim3A_143] : memref<80x16xf32, #tpu.memory_space<vmem>>[vector<16xi32>, vector<16xi32>], vector<16xf32>,
        %add3A_145 = arith.constant 32 : i32
        %add3A_146 = vector.broadcast %add3A_145 : i32 to vector<16xi32>
        %add3A_147 = arith.addi %iota3A, %add3A_146 : vector<16xi32>
        %gather3A_148 = tpu.vector_load_idx %arg22[%broadcast_in_dim3A, %add3A_147] : memref<80x128xf32, #tpu.memory_space<vmem>>[vector<16xi32>, vector<16xi32>], vector<16xf32>,
        %mul3A_149 = arith.mulf %gather3A_148, %gather3A_144 : vector<16xf32>
        tpu.vector_store_idx %arg22[%broadcast_in_dim3A, %add3A_147], %mul3A_149 : memref<80x128xf32, #tpu.memory_space<vmem>>[vector<16xi32>, vector<16xi32>], vector<16xf32>,
        %add3A_150 = arith.constant 48 : i32
        %add3A_151 = vector.broadcast %add3A_150 : i32 to vector<16xi32>
        %add3A_152 = arith.addi %iota3A, %add3A_151 : vector<16xi32>
        %gather3A_153 = tpu.vector_load_idx %arg22[%broadcast_in_dim3A, %add3A_152] : memref<80x128xf32, #tpu.memory_space<vmem>>[vector<16xi32>, vector<16xi32>], vector<16xf32>,
        %mul3A_154 = arith.mulf %gather3A_153, %gather3A_144 : vector<16xf32>
        tpu.vector_store_idx %arg22[%broadcast_in_dim3A, %add3A_152], %mul3A_154 : memref<80x128xf32, #tpu.memory_space<vmem>>[vector<16xi32>, vector<16xi32>], vector<16xf32>,
        %broadcast_in_dim3A_155 = arith.constant 2 : i32
        %broadcast_in_dim3A_156 = vector.broadcast %broadcast_in_dim3A_155 : i32 to vector<16xi32>
        %gather3A_157 = tpu.vector_load_idx %arg17[%broadcast_in_dim3A, %broadcast_in_dim3A_156] : memref<80x16xf32, #tpu.memory_space<vmem>>[vector<16xi32>, vector<16xi32>], vector<16xf32>,
        %add3A_158 = arith.constant 64 : i32
        %add3A_159 = vector.broadcast %add3A_158 : i32 to vector<16xi32>
        %add3A_160 = arith.addi %iota3A, %add3A_159 : vector<16xi32>
        %gather3A_161 = tpu.vector_load_idx %arg22[%broadcast_in_dim3A, %add3A_160] : memref<80x128xf32, #tpu.memory_space<vmem>>[vector<16xi32>, vector<16xi32>], vector<16xf32>,
        %mul3A_162 = arith.mulf %gather3A_161, %gather3A_157 : vector<16xf32>
        tpu.vector_store_idx %arg22[%broadcast_in_dim3A, %add3A_160], %mul3A_162 : memref<80x128xf32, #tpu.memory_space<vmem>>[vector<16xi32>, vector<16xi32>], vector<16xf32>,
        %add3A_163 = arith.constant 80 : i32
        %add3A_164 = vector.broadcast %add3A_163 : i32 to vector<16xi32>
        %add3A_165 = arith.addi %iota3A, %add3A_164 : vector<16xi32>
        %gather3A_166 = tpu.vector_load_idx %arg22[%broadcast_in_dim3A, %add3A_165] : memref<80x128xf32, #tpu.memory_space<vmem>>[vector<16xi32>, vector<16xi32>], vector<16xf32>,
        %mul3A_167 = arith.mulf %gather3A_166, %gather3A_157 : vector<16xf32>
        tpu.vector_store_idx %arg22[%broadcast_in_dim3A, %add3A_165], %mul3A_167 : memref<80x128xf32, #tpu.memory_space<vmem>>[vector<16xi32>, vector<16xi32>], vector<16xf32>,
        %broadcast_in_dim3A_168 = arith.constant 3 : i32
        %broadcast_in_dim3A_169 = vector.broadcast %broadcast_in_dim3A_168 : i32 to vector<16xi32>
        %gather3A_170 = tpu.vector_load_idx %arg17[%broadcast_in_dim3A, %broadcast_in_dim3A_169] : memref<80x16xf32, #tpu.memory_space<vmem>>[vector<16xi32>, vector<16xi32>], vector<16xf32>,
        %add3A_171 = arith.constant 96 : i32
        %add3A_172 = vector.broadcast %add3A_171 : i32 to vector<16xi32>
        %add3A_173 = arith.addi %iota3A, %add3A_172 : vector<16xi32>
        %gather3A_174 = tpu.vector_load_idx %arg22[%broadcast_in_dim3A, %add3A_173] : memref<80x128xf32, #tpu.memory_space<vmem>>[vector<16xi32>, vector<16xi32>], vector<16xf32>,
        %mul3A_175 = arith.mulf %gather3A_174, %gather3A_170 : vector<16xf32>
        tpu.vector_store_idx %arg22[%broadcast_in_dim3A, %add3A_173], %mul3A_175 : memref<80x128xf32, #tpu.memory_space<vmem>>[vector<16xi32>, vector<16xi32>], vector<16xf32>,
        %add3A_176 = arith.constant 112 : i32
        %add3A_177 = vector.broadcast %add3A_176 : i32 to vector<16xi32>
        %add3A_178 = arith.addi %iota3A, %add3A_177 : vector<16xi32>
        %gather3A_179 = tpu.vector_load_idx %arg22[%broadcast_in_dim3A, %add3A_178] : memref<80x128xf32, #tpu.memory_space<vmem>>[vector<16xi32>, vector<16xi32>], vector<16xf32>,
        %mul3A_180 = arith.mulf %gather3A_179, %gather3A_170 : vector<16xf32>
        tpu.vector_store_idx %arg22[%broadcast_in_dim3A, %add3A_178], %mul3A_180 : memref<80x128xf32, #tpu.memory_space<vmem>>[vector<16xi32>, vector<16xi32>], vector<16xf32>,
      }
      %scan3A_118 = arith.constant 80 : i32
      "tpu.region"() ({
        %run_scoped3A = tpu.sem_alloc : memref<!tpu.dma_semaphore, #tpu.memory_space<semaphore_mem>>
        %dma_start3A_119 = arith.constant 0 : i32
        %dma_start3A_120 = arith.constant 0 : i32
        %dma_start3A_121 = tpu.memref_slice %arg12[%dma_start3A_119, %dma_start3A_120] : memref<10240x128xf32, #tpu.memory_space<vmem_shared>> -> memref<10240x128xf32, #tpu.memory_space<vmem_shared>>
        tpu.enqueue_indirect_dma source(%arg22 : memref<80x128xf32, #tpu.memory_space<vmem>>) target(%dma_start3A_121 : memref<10240x128xf32, #tpu.memory_space<vmem_shared>>) offsets(%arg21 : memref<80xi32, #tpu.memory_space<vmem>>) semaphore(%run_scoped3A : memref<!tpu.dma_semaphore, #tpu.memory_space<semaphore_mem>>) {add = true}
        %dma_wait3A_122 = arith.constant 0 : i32
        %dma_wait3A_123 = arith.constant 0 : i32
        %dma_wait3A_124 = tpu.memref_slice %arg12[%dma_wait3A_122, %dma_wait3A_123] : memref<10240x128xf32, #tpu.memory_space<vmem_shared>> -> memref<10240x128xf32, #tpu.memory_space<vmem_shared>>
        tpu.wait_indirect_dma semaphore(%run_scoped3A : memref<!tpu.dma_semaphore, #tpu.memory_space<semaphore_mem>>) src(%arg22 : memref<80x128xf32, #tpu.memory_space<vmem>>) dst(%dma_wait3A_124 : memref<10240x128xf32, #tpu.memory_space<vmem_shared>>)
        tpu.yield
      }) : () -> ()
      "tpu.region"() ({
        %run_scoped3A = tpu.sem_alloc : memref<!tpu.dma_semaphore, #tpu.memory_space<semaphore_mem>>
        %dma_start3A_119 = arith.constant 0 : i32
        %dma_start3A_120 = arith.constant 0 : i32
        %dma_start3A_121 = tpu.memref_slice %arg13[%dma_start3A_119, %dma_start3A_120] : memref<10240x16xf32, #tpu.memory_space<vmem_shared>> -> memref<10240x16xf32, #tpu.memory_space<vmem_shared>>
        tpu.enqueue_indirect_dma source(%arg17 : memref<80x16xf32, #tpu.memory_space<vmem>>) target(%dma_start3A_121 : memref<10240x16xf32, #tpu.memory_space<vmem_shared>>) offsets(%arg21 : memref<80xi32, #tpu.memory_space<vmem>>) semaphore(%run_scoped3A : memref<!tpu.dma_semaphore, #tpu.memory_space<semaphore_mem>>) {add = true}
        %dma_wait3A_122 = arith.constant 0 : i32
        %dma_wait3A_123 = arith.constant 0 : i32
        %dma_wait3A_124 = tpu.memref_slice %arg13[%dma_wait3A_122, %dma_wait3A_123] : memref<10240x16xf32, #tpu.memory_space<vmem_shared>> -> memref<10240x16xf32, #tpu.memory_space<vmem_shared>>
        tpu.wait_indirect_dma semaphore(%run_scoped3A : memref<!tpu.dma_semaphore, #tpu.memory_space<semaphore_mem>>) src(%arg17 : memref<80x16xf32, #tpu.memory_space<vmem>>) dst(%dma_wait3A_124 : memref<10240x16xf32, #tpu.memory_space<vmem_shared>>)
        tpu.yield
      }) : () -> ()
    }
    %scan3A_30 = arith.constant 62 : i32
    %dma_wait3A = arith.constant 0 : i32
    %dma_wait3A_31 = arith.constant 0 : i32
    %dma_wait3A_32 = tpu.memref_slice %arg2[%dma_wait3A, %dma_wait3A_31] : memref<10000x128xf32, #tpu.memory_space<hbm>> -> memref<10000x128xf32, #tpu.memory_space<hbm>>
    tpu.wait_indirect_dma semaphore(%arg26 : memref<!tpu.dma_semaphore, #tpu.memory_space<semaphore_mem>>) src(%dma_wait3A_32 : memref<10000x128xf32, #tpu.memory_space<hbm>>) dst(%arg16 : memref<80x128xf32, #tpu.memory_space<vmem>>)
    %dma_wait3A_33 = arith.constant 0 : i32
    %dma_wait3A_34 = arith.constant 0 : i32
    %dma_wait3A_35 = tpu.memref_slice %arg3[%dma_wait3A_33, %dma_wait3A_34] : memref<10000x16xf32, #tpu.memory_space<hbm>> -> memref<10000x16xf32, #tpu.memory_space<hbm>>
    tpu.wait_indirect_dma semaphore(%arg26 : memref<!tpu.dma_semaphore, #tpu.memory_space<semaphore_mem>>) src(%dma_wait3A_35 : memref<10000x16xf32, #tpu.memory_space<hbm>>) dst(%arg18 : memref<80x16xf32, #tpu.memory_space<vmem>>)
    %dma_wait3A_36 = arith.constant 0 : i32
    %dma_wait3A_37 = arith.constant 0 : i32
    %dma_wait3A_38 = tpu.memref_slice %arg4[%dma_wait3A_36, %dma_wait3A_37] : memref<10000x16xf32, #tpu.memory_space<hbm>> -> memref<10000x16xf32, #tpu.memory_space<hbm>>
    tpu.wait_indirect_dma semaphore(%arg26 : memref<!tpu.dma_semaphore, #tpu.memory_space<semaphore_mem>>) src(%dma_wait3A_38 : memref<10000x16xf32, #tpu.memory_space<hbm>>) dst(%arg19 : memref<80x16xf32, #tpu.memory_space<vmem>>)
    %scan3A_39 = arith.constant 0 : i32
    %scan3A_40 = arith.constant 0 : i32
    %scan3A_41 = arith.constant 80 : i32
    %scan3A_42 = arith.addi %scan3A_40, %scan3A_41 : i32
    %scan3A_43 = arith.constant 1 : i32
    scf.for %scan3A_52 = %scan3A_40 to %scan3A_42 step %scan3A_43  : i32 {
      %broadcast_in_dim3A = vector.broadcast %scan3A_52 : i32 to vector<16xi32>
      %gather3A = tpu.vector_load_idx %arg18[%broadcast_in_dim3A, %iota3A] : memref<80x16xf32, #tpu.memory_space<vmem>>[vector<16xi32>, vector<16xi32>], vector<16xf32>,
      %gather3A_53 = tpu.vector_load_idx %arg19[%broadcast_in_dim3A, %iota3A] : memref<80x16xf32, #tpu.memory_space<vmem>>[vector<16xi32>, vector<16xi32>], vector<16xf32>,
      %add3A_54 = arith.addf %gather3A, %gather3A_53 : vector<16xf32>
      %ge3A = arith.constant 0.000000e+00 : f32
      %ge3A_55 = vector.broadcast %ge3A : f32 to vector<16xf32>
      %ge3A_56 = arith.cmpf oge, %add3A_54, %ge3A_55 : vector<16xf32>
      %mul3A_57 = arith.constant 2.000000e-01 : f32
      %mul3A_58 = vector.broadcast %mul3A_57 : f32 to vector<16xf32>
      %mul3A_59 = arith.mulf %mul3A_58, %add3A_54 : vector<16xf32>
      %select_n3A = arith.select %ge3A_56, %add3A_54, %mul3A_59 : vector<16xi1>, vector<16xf32>
      %sub3A = arith.subf %select_n3A, %get3A_8 : vector<16xf32>
      %exp3A = math.exp %sub3A : vector<16xf32>
      %jit3A = arith.constant 0.000000e+00 : f32
      %broadcast_in_dim3A_60 = vector.broadcast %jit3A : f32 to vector<16xf32>
      %select_n3A_61 = arith.select %lt3A_10, %exp3A, %broadcast_in_dim3A_60 : vector<16xi1>, vector<16xf32>
      tpu.vector_store_idx %arg17[%broadcast_in_dim3A, %iota3A], %select_n3A_61 : memref<80x16xf32, #tpu.memory_space<vmem>>[vector<16xi32>, vector<16xi32>], vector<16xf32>,
      %broadcast_in_dim3A_62 = arith.constant 0 : i32
      %broadcast_in_dim3A_63 = vector.broadcast %broadcast_in_dim3A_62 : i32 to vector<16xi32>
      %gather3A_64 = tpu.vector_load_idx %arg17[%broadcast_in_dim3A, %broadcast_in_dim3A_63] : memref<80x16xf32, #tpu.memory_space<vmem>>[vector<16xi32>, vector<16xi32>], vector<16xf32>,
      %add3A_65 = arith.constant 0 : i32
      %add3A_66 = vector.broadcast %add3A_65 : i32 to vector<16xi32>
      %add3A_67 = arith.addi %iota3A, %add3A_66 : vector<16xi32>
      %gather3A_68 = tpu.vector_load_idx %arg16[%broadcast_in_dim3A, %add3A_67] : memref<80x128xf32, #tpu.memory_space<vmem>>[vector<16xi32>, vector<16xi32>], vector<16xf32>,
      %mul3A_69 = arith.mulf %gather3A_68, %gather3A_64 : vector<16xf32>
      tpu.vector_store_idx %arg16[%broadcast_in_dim3A, %add3A_67], %mul3A_69 : memref<80x128xf32, #tpu.memory_space<vmem>>[vector<16xi32>, vector<16xi32>], vector<16xf32>,
      %add3A_70 = arith.constant 16 : i32
      %add3A_71 = vector.broadcast %add3A_70 : i32 to vector<16xi32>
      %add3A_72 = arith.addi %iota3A, %add3A_71 : vector<16xi32>
      %gather3A_73 = tpu.vector_load_idx %arg16[%broadcast_in_dim3A, %add3A_72] : memref<80x128xf32, #tpu.memory_space<vmem>>[vector<16xi32>, vector<16xi32>], vector<16xf32>,
      %mul3A_74 = arith.mulf %gather3A_73, %gather3A_64 : vector<16xf32>
      tpu.vector_store_idx %arg16[%broadcast_in_dim3A, %add3A_72], %mul3A_74 : memref<80x128xf32, #tpu.memory_space<vmem>>[vector<16xi32>, vector<16xi32>], vector<16xf32>,
      %broadcast_in_dim3A_75 = arith.constant 1 : i32
      %broadcast_in_dim3A_76 = vector.broadcast %broadcast_in_dim3A_75 : i32 to vector<16xi32>
      %gather3A_77 = tpu.vector_load_idx %arg17[%broadcast_in_dim3A, %broadcast_in_dim3A_76] : memref<80x16xf32, #tpu.memory_space<vmem>>[vector<16xi32>, vector<16xi32>], vector<16xf32>,
      %add3A_78 = arith.constant 32 : i32
      %add3A_79 = vector.broadcast %add3A_78 : i32 to vector<16xi32>
      %add3A_80 = arith.addi %iota3A, %add3A_79 : vector<16xi32>
      %gather3A_81 = tpu.vector_load_idx %arg16[%broadcast_in_dim3A, %add3A_80] : memref<80x128xf32, #tpu.memory_space<vmem>>[vector<16xi32>, vector<16xi32>], vector<16xf32>,
      %mul3A_82 = arith.mulf %gather3A_81, %gather3A_77 : vector<16xf32>
      tpu.vector_store_idx %arg16[%broadcast_in_dim3A, %add3A_80], %mul3A_82 : memref<80x128xf32, #tpu.memory_space<vmem>>[vector<16xi32>, vector<16xi32>], vector<16xf32>,
      %add3A_83 = arith.constant 48 : i32
      %add3A_84 = vector.broadcast %add3A_83 : i32 to vector<16xi32>
      %add3A_85 = arith.addi %iota3A, %add3A_84 : vector<16xi32>
      %gather3A_86 = tpu.vector_load_idx %arg16[%broadcast_in_dim3A, %add3A_85] : memref<80x128xf32, #tpu.memory_space<vmem>>[vector<16xi32>, vector<16xi32>], vector<16xf32>,
      %mul3A_87 = arith.mulf %gather3A_86, %gather3A_77 : vector<16xf32>
      tpu.vector_store_idx %arg16[%broadcast_in_dim3A, %add3A_85], %mul3A_87 : memref<80x128xf32, #tpu.memory_space<vmem>>[vector<16xi32>, vector<16xi32>], vector<16xf32>,
      %broadcast_in_dim3A_88 = arith.constant 2 : i32
      %broadcast_in_dim3A_89 = vector.broadcast %broadcast_in_dim3A_88 : i32 to vector<16xi32>
      %gather3A_90 = tpu.vector_load_idx %arg17[%broadcast_in_dim3A, %broadcast_in_dim3A_89] : memref<80x16xf32, #tpu.memory_space<vmem>>[vector<16xi32>, vector<16xi32>], vector<16xf32>,
      %add3A_91 = arith.constant 64 : i32
      %add3A_92 = vector.broadcast %add3A_91 : i32 to vector<16xi32>
      %add3A_93 = arith.addi %iota3A, %add3A_92 : vector<16xi32>
      %gather3A_94 = tpu.vector_load_idx %arg16[%broadcast_in_dim3A, %add3A_93] : memref<80x128xf32, #tpu.memory_space<vmem>>[vector<16xi32>, vector<16xi32>], vector<16xf32>,
      %mul3A_95 = arith.mulf %gather3A_94, %gather3A_90 : vector<16xf32>
      tpu.vector_store_idx %arg16[%broadcast_in_dim3A, %add3A_93], %mul3A_95 : memref<80x128xf32, #tpu.memory_space<vmem>>[vector<16xi32>, vector<16xi32>], vector<16xf32>,
      %add3A_96 = arith.constant 80 : i32
      %add3A_97 = vector.broadcast %add3A_96 : i32 to vector<16xi32>
      %add3A_98 = arith.addi %iota3A, %add3A_97 : vector<16xi32>
      %gather3A_99 = tpu.vector_load_idx %arg16[%broadcast_in_dim3A, %add3A_98] : memref<80x128xf32, #tpu.memory_space<vmem>>[vector<16xi32>, vector<16xi32>], vector<16xf32>,
      %mul3A_100 = arith.mulf %gather3A_99, %gather3A_90 : vector<16xf32>
      tpu.vector_store_idx %arg16[%broadcast_in_dim3A, %add3A_98], %mul3A_100 : memref<80x128xf32, #tpu.memory_space<vmem>>[vector<16xi32>, vector<16xi32>], vector<16xf32>,
      %broadcast_in_dim3A_101 = arith.constant 3 : i32
      %broadcast_in_dim3A_102 = vector.broadcast %broadcast_in_dim3A_101 : i32 to vector<16xi32>
      %gather3A_103 = tpu.vector_load_idx %arg17[%broadcast_in_dim3A, %broadcast_in_dim3A_102] : memref<80x16xf32, #tpu.memory_space<vmem>>[vector<16xi32>, vector<16xi32>], vector<16xf32>,
      %add3A_104 = arith.constant 96 : i32
      %add3A_105 = vector.broadcast %add3A_104 : i32 to vector<16xi32>
      %add3A_106 = arith.addi %iota3A, %add3A_105 : vector<16xi32>
      %gather3A_107 = tpu.vector_load_idx %arg16[%broadcast_in_dim3A, %add3A_106] : memref<80x128xf32, #tpu.memory_space<vmem>>[vector<16xi32>, vector<16xi32>], vector<16xf32>,
      %mul3A_108 = arith.mulf %gather3A_107, %gather3A_103 : vector<16xf32>
      tpu.vector_store_idx %arg16[%broadcast_in_dim3A, %add3A_106], %mul3A_108 : memref<80x128xf32, #tpu.memory_space<vmem>>[vector<16xi32>, vector<16xi32>], vector<16xf32>,
      %add3A_109 = arith.constant 112 : i32
      %add3A_110 = vector.broadcast %add3A_109 : i32 to vector<16xi32>
      %add3A_111 = arith.addi %iota3A, %add3A_110 : vector<16xi32>
      %gather3A_112 = tpu.vector_load_idx %arg16[%broadcast_in_dim3A, %add3A_111] : memref<80x128xf32, #tpu.memory_space<vmem>>[vector<16xi32>, vector<16xi32>], vector<16xf32>,
      %mul3A_113 = arith.mulf %gather3A_112, %gather3A_103 : vector<16xf32>
      tpu.vector_store_idx %arg16[%broadcast_in_dim3A, %add3A_111], %mul3A_113 : memref<80x128xf32, #tpu.memory_space<vmem>>[vector<16xi32>, vector<16xi32>], vector<16xf32>,
    }
    %scan3A_44 = arith.constant 80 : i32
    "tpu.region"() ({
      %run_scoped3A = tpu.sem_alloc : memref<!tpu.dma_semaphore, #tpu.memory_space<semaphore_mem>>
      %dma_start3A_52 = arith.constant 0 : i32
      %dma_start3A_53 = arith.constant 0 : i32
      %dma_start3A_54 = tpu.memref_slice %arg12[%dma_start3A_52, %dma_start3A_53] : memref<10240x128xf32, #tpu.memory_space<vmem_shared>> -> memref<10240x128xf32, #tpu.memory_space<vmem_shared>>
      tpu.enqueue_indirect_dma source(%arg16 : memref<80x128xf32, #tpu.memory_space<vmem>>) target(%dma_start3A_54 : memref<10240x128xf32, #tpu.memory_space<vmem_shared>>) offsets(%arg15 : memref<80xi32, #tpu.memory_space<vmem>>) semaphore(%run_scoped3A : memref<!tpu.dma_semaphore, #tpu.memory_space<semaphore_mem>>) {add = true}
      %dma_wait3A_55 = arith.constant 0 : i32
      %dma_wait3A_56 = arith.constant 0 : i32
      %dma_wait3A_57 = tpu.memref_slice %arg12[%dma_wait3A_55, %dma_wait3A_56] : memref<10240x128xf32, #tpu.memory_space<vmem_shared>> -> memref<10240x128xf32, #tpu.memory_space<vmem_shared>>
      tpu.wait_indirect_dma semaphore(%run_scoped3A : memref<!tpu.dma_semaphore, #tpu.memory_space<semaphore_mem>>) src(%arg16 : memref<80x128xf32, #tpu.memory_space<vmem>>) dst(%dma_wait3A_57 : memref<10240x128xf32, #tpu.memory_space<vmem_shared>>)
      tpu.yield
    }) : () -> ()
    "tpu.region"() ({
      %run_scoped3A = tpu.sem_alloc : memref<!tpu.dma_semaphore, #tpu.memory_space<semaphore_mem>>
      %dma_start3A_52 = arith.constant 0 : i32
      %dma_start3A_53 = arith.constant 0 : i32
      %dma_start3A_54 = tpu.memref_slice %arg13[%dma_start3A_52, %dma_start3A_53] : memref<10240x16xf32, #tpu.memory_space<vmem_shared>> -> memref<10240x16xf32, #tpu.memory_space<vmem_shared>>
      tpu.enqueue_indirect_dma source(%arg17 : memref<80x16xf32, #tpu.memory_space<vmem>>) target(%dma_start3A_54 : memref<10240x16xf32, #tpu.memory_space<vmem_shared>>) offsets(%arg15 : memref<80xi32, #tpu.memory_space<vmem>>) semaphore(%run_scoped3A : memref<!tpu.dma_semaphore, #tpu.memory_space<semaphore_mem>>) {add = true}
      %dma_wait3A_55 = arith.constant 0 : i32
      %dma_wait3A_56 = arith.constant 0 : i32
      %dma_wait3A_57 = tpu.memref_slice %arg13[%dma_wait3A_55, %dma_wait3A_56] : memref<10240x16xf32, #tpu.memory_space<vmem_shared>> -> memref<10240x16xf32, #tpu.memory_space<vmem_shared>>
      tpu.wait_indirect_dma semaphore(%run_scoped3A : memref<!tpu.dma_semaphore, #tpu.memory_space<semaphore_mem>>) src(%arg17 : memref<80x16xf32, #tpu.memory_space<vmem>>) dst(%dma_wait3A_57 : memref<10240x16xf32, #tpu.memory_space<vmem_shared>>)
      tpu.yield
    }) : () -> ()
    %barrier3A_45 = arith.constant 0 : index
    tpu.barrier barrier_id(%barrier3A_45)
    %scan3A_46 = arith.constant 0 : i32
    %scan3A_47 = arith.constant 0 : i32
    %scan3A_48 = arith.constant 8 : i32
    %scan3A_49 = arith.addi %scan3A_47, %scan3A_48 : i32
    %scan3A_50 = arith.constant 1 : i32
    scf.for %scan3A_52 = %scan3A_47 to %scan3A_49 step %scan3A_50  : i32 {
      %mul3A_53 = arith.constant 80 : i32
      %mul3A_54 = arith.muli %scan3A_52, %mul3A_53 : i32
      %add3A_55 = arith.addi %mul3A_2, %mul3A_54 : i32
      "tpu.region"() ({
        %run_scoped3A = tpu.sem_alloc : memref<!tpu.dma_semaphore, #tpu.memory_space<semaphore_mem>>
        %dma_start3A_56 = arith.constant 0 : i32
        %dma_start3A_57 = tpu.memref_slice %arg12[%add3A_55, %dma_start3A_56] : memref<10240x128xf32, #tpu.memory_space<vmem_shared>> -> memref<80x128xf32, #tpu.memory_space<vmem_shared>>
        %dma_start3A_58 = arith.constant 0 : i32
        %dma_start3A_59 = tpu.memref_slice %arg12[%add3A_55, %dma_start3A_58] : memref<10240x128xf32, #tpu.memory_space<vmem_shared>> -> memref<80x128xf32, #tpu.memory_space<vmem_shared>>
        tpu.enqueue_dma source(%dma_start3A_59 : memref<80x128xf32, #tpu.memory_space<vmem_shared>>) target(%arg16 : memref<80x128xf32, #tpu.memory_space<vmem>>) target_semaphore(%run_scoped3A : memref<!tpu.dma_semaphore, #tpu.memory_space<semaphore_mem>>)
        %dma_wait3A_60 = arith.constant 0 : i32
        %dma_wait3A_61 = tpu.memref_slice %arg12[%add3A_55, %dma_wait3A_60] : memref<10240x128xf32, #tpu.memory_space<vmem_shared>> -> memref<80x128xf32, #tpu.memory_space<vmem_shared>>
        %dma_wait3A_62 = arith.constant 0 : i32
        %dma_wait3A_63 = tpu.memref_slice %arg12[%add3A_55, %dma_wait3A_62] : memref<10240x128xf32, #tpu.memory_space<vmem_shared>> -> memref<80x128xf32, #tpu.memory_space<vmem_shared>>
        tpu.wait_dma2 semaphore(%run_scoped3A : memref<!tpu.dma_semaphore, #tpu.memory_space<semaphore_mem>>) src(%dma_wait3A_63 : memref<80x128xf32, #tpu.memory_space<vmem_shared>>) dst(%arg16 : memref<80x128xf32, #tpu.memory_space<vmem>>)
        tpu.yield
      }) : () -> ()
      "tpu.region"() ({
        %run_scoped3A = tpu.sem_alloc : memref<!tpu.dma_semaphore, #tpu.memory_space<semaphore_mem>>
        %dma_start3A_56 = arith.constant 0 : i32
        %dma_start3A_57 = tpu.memref_slice %arg10[%arg0, %add3A_55, %dma_start3A_56] : memref<2x10240x128xf32, #tpu.memory_space<hbm>> -> memref<1x80x128xf32, #tpu.memory_space<hbm>>
        %dma_start3A_58 = tpu.memref_squeeze %dma_start3A_57 : memref<1x80x128xf32, #tpu.memory_space<hbm>> -> memref<80x128xf32, #tpu.memory_space<hbm>>
        %dma_start3A_59 = arith.constant 0 : i32
        %dma_start3A_60 = tpu.memref_slice %arg10[%arg0, %add3A_55, %dma_start3A_59] : memref<2x10240x128xf32, #tpu.memory_space<hbm>> -> memref<1x80x128xf32, #tpu.memory_space<hbm>>
        %dma_start3A_61 = tpu.memref_squeeze %dma_start3A_60 : memref<1x80x128xf32, #tpu.memory_space<hbm>> -> memref<80x128xf32, #tpu.memory_space<hbm>>
        tpu.enqueue_dma source(%arg16 : memref<80x128xf32, #tpu.memory_space<vmem>>) target(%dma_start3A_61 : memref<80x128xf32, #tpu.memory_space<hbm>>) target_semaphore(%run_scoped3A : memref<!tpu.dma_semaphore, #tpu.memory_space<semaphore_mem>>)
        %dma_wait3A_62 = arith.constant 0 : i32
        %dma_wait3A_63 = tpu.memref_slice %arg10[%arg0, %add3A_55, %dma_wait3A_62] : memref<2x10240x128xf32, #tpu.memory_space<hbm>> -> memref<1x80x128xf32, #tpu.memory_space<hbm>>
        %dma_wait3A_64 = tpu.memref_squeeze %dma_wait3A_63 : memref<1x80x128xf32, #tpu.memory_space<hbm>> -> memref<80x128xf32, #tpu.memory_space<hbm>>
        %dma_wait3A_65 = arith.constant 0 : i32
        %dma_wait3A_66 = tpu.memref_slice %arg10[%arg0, %add3A_55, %dma_wait3A_65] : memref<2x10240x128xf32, #tpu.memory_space<hbm>> -> memref<1x80x128xf32, #tpu.memory_space<hbm>>
        %dma_wait3A_67 = tpu.memref_squeeze %dma_wait3A_66 : memref<1x80x128xf32, #tpu.memory_space<hbm>> -> memref<80x128xf32, #tpu.memory_space<hbm>>
        tpu.wait_dma2 semaphore(%run_scoped3A : memref<!tpu.dma_semaphore, #tpu.memory_space<semaphore_mem>>) src(%arg16 : memref<80x128xf32, #tpu.memory_space<vmem>>) dst(%dma_wait3A_67 : memref<80x128xf32, #tpu.memory_space<hbm>>)
        tpu.yield
      }) : () -> ()
      "tpu.region"() ({
        %run_scoped3A = tpu.sem_alloc : memref<!tpu.dma_semaphore, #tpu.memory_space<semaphore_mem>>
        %dma_start3A_56 = arith.constant 0 : i32
        %dma_start3A_57 = tpu.memref_slice %arg13[%add3A_55, %dma_start3A_56] : memref<10240x16xf32, #tpu.memory_space<vmem_shared>> -> memref<80x16xf32, #tpu.memory_space<vmem_shared>>
        %dma_start3A_58 = arith.constant 0 : i32
        %dma_start3A_59 = tpu.memref_slice %arg13[%add3A_55, %dma_start3A_58] : memref<10240x16xf32, #tpu.memory_space<vmem_shared>> -> memref<80x16xf32, #tpu.memory_space<vmem_shared>>
        tpu.enqueue_dma source(%dma_start3A_59 : memref<80x16xf32, #tpu.memory_space<vmem_shared>>) target(%arg17 : memref<80x16xf32, #tpu.memory_space<vmem>>) target_semaphore(%run_scoped3A : memref<!tpu.dma_semaphore, #tpu.memory_space<semaphore_mem>>)
        %dma_wait3A_60 = arith.constant 0 : i32
        %dma_wait3A_61 = tpu.memref_slice %arg13[%add3A_55, %dma_wait3A_60] : memref<10240x16xf32, #tpu.memory_space<vmem_shared>> -> memref<80x16xf32, #tpu.memory_space<vmem_shared>>
        %dma_wait3A_62 = arith.constant 0 : i32
        %dma_wait3A_63 = tpu.memref_slice %arg13[%add3A_55, %dma_wait3A_62] : memref<10240x16xf32, #tpu.memory_space<vmem_shared>> -> memref<80x16xf32, #tpu.memory_space<vmem_shared>>
        tpu.wait_dma2 semaphore(%run_scoped3A : memref<!tpu.dma_semaphore, #tpu.memory_space<semaphore_mem>>) src(%dma_wait3A_63 : memref<80x16xf32, #tpu.memory_space<vmem_shared>>) dst(%arg17 : memref<80x16xf32, #tpu.memory_space<vmem>>)
        tpu.yield
      }) : () -> ()
      "tpu.region"() ({
        %run_scoped3A = tpu.sem_alloc : memref<!tpu.dma_semaphore, #tpu.memory_space<semaphore_mem>>
        %dma_start3A_56 = arith.constant 0 : i32
        %dma_start3A_57 = tpu.memref_slice %arg11[%arg0, %add3A_55, %dma_start3A_56] : memref<2x10240x16xf32, #tpu.memory_space<hbm>> -> memref<1x80x16xf32, #tpu.memory_space<hbm>>
        %dma_start3A_58 = tpu.memref_squeeze %dma_start3A_57 : memref<1x80x16xf32, #tpu.memory_space<hbm>> -> memref<80x16xf32, #tpu.memory_space<hbm>>
        %dma_start3A_59 = arith.constant 0 : i32
        %dma_start3A_60 = tpu.memref_slice %arg11[%arg0, %add3A_55, %dma_start3A_59] : memref<2x10240x16xf32, #tpu.memory_space<hbm>> -> memref<1x80x16xf32, #tpu.memory_space<hbm>>
        %dma_start3A_61 = tpu.memref_squeeze %dma_start3A_60 : memref<1x80x16xf32, #tpu.memory_space<hbm>> -> memref<80x16xf32, #tpu.memory_space<hbm>>
        tpu.enqueue_dma source(%arg17 : memref<80x16xf32, #tpu.memory_space<vmem>>) target(%dma_start3A_61 : memref<80x16xf32, #tpu.memory_space<hbm>>) target_semaphore(%run_scoped3A : memref<!tpu.dma_semaphore, #tpu.memory_space<semaphore_mem>>)
        %dma_wait3A_62 = arith.constant 0 : i32
        %dma_wait3A_63 = tpu.memref_slice %arg11[%arg0, %add3A_55, %dma_wait3A_62] : memref<2x10240x16xf32, #tpu.memory_space<hbm>> -> memref<1x80x16xf32, #tpu.memory_space<hbm>>
        %dma_wait3A_64 = tpu.memref_squeeze %dma_wait3A_63 : memref<1x80x16xf32, #tpu.memory_space<hbm>> -> memref<80x16xf32, #tpu.memory_space<hbm>>
        %dma_wait3A_65 = arith.constant 0 : i32
        %dma_wait3A_66 = tpu.memref_slice %arg11[%arg0, %add3A_55, %dma_wait3A_65] : memref<2x10240x16xf32, #tpu.memory_space<hbm>> -> memref<1x80x16xf32, #tpu.memory_space<hbm>>
        %dma_wait3A_67 = tpu.memref_squeeze %dma_wait3A_66 : memref<1x80x16xf32, #tpu.memory_space<hbm>> -> memref<80x16xf32, #tpu.memory_space<hbm>>
        tpu.wait_dma2 semaphore(%run_scoped3A : memref<!tpu.dma_semaphore, #tpu.memory_space<semaphore_mem>>) src(%arg17 : memref<80x16xf32, #tpu.memory_space<vmem>>) dst(%dma_wait3A_67 : memref<80x16xf32, #tpu.memory_space<hbm>>)
        tpu.yield
      }) : () -> ()
    }
    %scan3A_51 = arith.constant 8 : i32
    return
  }
}

module attributes {stable_mosaic.version = 14 : i64} {
  func.func @_stage_a_body(%arg0: i32, %arg1: memref<1000x128xf32, #tpu.memory_space<vmem>>, %arg2: memref<128x128xf32, #tpu.memory_space<vmem>>, %arg3: memref<128x16xf32, #tpu.memory_space<vmem>>, %arg4: memref<128x16xf32, #tpu.memory_space<vmem>>, %arg5: memref<128x128xf32, #tpu.memory_space<vmem>>, %arg6: memref<1000x128xf32, #tpu.memory_space<vmem>>, %arg7: memref<1000x16xf32, #tpu.memory_space<vmem>>, %arg8: memref<1000x16xf32, #tpu.memory_space<vmem>>, %arg9: memref<1000x128xf32, #tpu.memory_space<vmem>>, %arg10: memref<8x128xf32, #tpu.memory_space<vmem>>, %arg11: memref<2xf32, #tpu.memory_space<smem>>) attributes {dimension_semantics = [#tpu.dimension_semantics<arbitrary>], iteration_bounds = array<i64: 10>, scalar_prefetch = 0 : i64, scratch_operands = 1 : i64, tpu.core_type = #tpu.core_type<tc>, window_params = [{transform_indices = @transform_0, window_bounds = array<i64: 1000, 128>}, {pipeline_mode = #tpu.pipeline_mode<synchronous>, transform_indices = @transform_1, window_bounds = array<i64: 128, 128>}, {pipeline_mode = #tpu.pipeline_mode<synchronous>, transform_indices = @transform_2, window_bounds = array<i64: 128, 16>}, {pipeline_mode = #tpu.pipeline_mode<synchronous>, transform_indices = @transform_3, window_bounds = array<i64: 128, 16>}, {pipeline_mode = #tpu.pipeline_mode<synchronous>, transform_indices = @transform_4, window_bounds = array<i64: 128, 128>}, {transform_indices = @transform_5, window_bounds = array<i64: 1000, 128>}, {transform_indices = @transform_6, window_bounds = array<i64: 1000, 16>}, {transform_indices = @transform_7, window_bounds = array<i64: 1000, 16>}, {transform_indices = @transform_8, window_bounds = array<i64: 1000, 128>}, {pipeline_mode = #tpu.pipeline_mode<synchronous>, transform_indices = @transform_9, window_bounds = array<i64: 8, 128>}]} {
    %get3A = arith.constant 0 : index
    %get3A_0 = arith.constant 0 : index
    %get3A_1 = vector.load %arg1[%get3A, %get3A_0] : memref<1000x128xf32, #tpu.memory_space<vmem>>, vector<1000x128xf32>
    %get3A_2 = arith.constant 0 : index
    %get3A_3 = arith.constant 0 : index
    %get3A_4 = vector.load %arg2[%get3A_2, %get3A_3] : memref<128x128xf32, #tpu.memory_space<vmem>>, vector<128x128xf32>
    %dot_general3A = arith.constant dense<0.000000e+00> : vector<1000x128xf32>
    %dot_general3A_5 = tpu.matmul %get3A_1, %get3A_4, %dot_general3A {dimension_numbers = #tpu.dot_dimension_numbers<[1], [0], [0], [1], [0, 0, 1, 1], [], []>, precision = #tpu.contract_precision<fp32>, transpose_lhs_hint = false} : vector<1000x128xf32>, vector<128x128xf32>, vector<1000x128xf32> -> vector<1000x128xf32>
    %swap3A = arith.constant 0 : index
    %swap3A_6 = arith.constant 0 : index
    %swap3A_7 = vector.load %arg6[%swap3A, %swap3A_6] : memref<1000x128xf32, #tpu.memory_space<vmem>>, vector<1000x128xf32>
    tpu.vector_store %arg6[%swap3A, %swap3A_6], %dot_general3A_5 {strides = array<i32>} : memref<1000x128xf32, #tpu.memory_space<vmem>>, vector<1000x128xf32>,
    %get3A_8 = arith.constant 0 : index
    %get3A_9 = arith.constant 0 : index
    %get3A_10 = vector.load %arg3[%get3A_8, %get3A_9] : memref<128x16xf32, #tpu.memory_space<vmem>>, vector<128x16xf32>
    %dot_general3A_11 = arith.constant dense<0.000000e+00> : vector<1000x16xf32>
    %dot_general3A_12 = tpu.matmul %dot_general3A_5, %get3A_10, %dot_general3A_11 {dimension_numbers = #tpu.dot_dimension_numbers<[1], [0], [0], [1], [0, 0, 1, 1], [], []>, precision = #tpu.contract_precision<fp32>, transpose_lhs_hint = false} : vector<1000x128xf32>, vector<128x16xf32>, vector<1000x16xf32> -> vector<1000x16xf32>
    %swap3A_13 = arith.constant 0 : index
    %swap3A_14 = arith.constant 0 : index
    %swap3A_15 = vector.load %arg7[%swap3A_13, %swap3A_14] : memref<1000x16xf32, #tpu.memory_space<vmem>>, vector<1000x16xf32>
    tpu.vector_store %arg7[%swap3A_13, %swap3A_14], %dot_general3A_12 {strides = array<i32>} : memref<1000x16xf32, #tpu.memory_space<vmem>>, vector<1000x16xf32>,
    %get3A_16 = arith.constant 0 : index
    %get3A_17 = arith.constant 0 : index
    %get3A_18 = vector.load %arg4[%get3A_16, %get3A_17] : memref<128x16xf32, #tpu.memory_space<vmem>>, vector<128x16xf32>
    %dot_general3A_19 = arith.constant dense<0.000000e+00> : vector<1000x16xf32>
    %dot_general3A_20 = tpu.matmul %dot_general3A_5, %get3A_18, %dot_general3A_19 {dimension_numbers = #tpu.dot_dimension_numbers<[1], [0], [0], [1], [0, 0, 1, 1], [], []>, precision = #tpu.contract_precision<fp32>, transpose_lhs_hint = false} : vector<1000x128xf32>, vector<128x16xf32>, vector<1000x16xf32> -> vector<1000x16xf32>
    %swap3A_21 = arith.constant 0 : index
    %swap3A_22 = arith.constant 0 : index
    %swap3A_23 = vector.load %arg8[%swap3A_21, %swap3A_22] : memref<1000x16xf32, #tpu.memory_space<vmem>>, vector<1000x16xf32>
    tpu.vector_store %arg8[%swap3A_21, %swap3A_22], %dot_general3A_20 {strides = array<i32>} : memref<1000x16xf32, #tpu.memory_space<vmem>>, vector<1000x16xf32>,
    %get3A_24 = arith.constant 0 : index
    %get3A_25 = arith.constant 0 : index
    %get3A_26 = vector.load %arg5[%get3A_24, %get3A_25] : memref<128x128xf32, #tpu.memory_space<vmem>>, vector<128x128xf32>
    %dot_general3A_27 = arith.constant dense<0.000000e+00> : vector<1000x128xf32>
    %dot_general3A_28 = tpu.matmul %get3A_1, %get3A_26, %dot_general3A_27 {dimension_numbers = #tpu.dot_dimension_numbers<[1], [0], [0], [1], [0, 0, 1, 1], [], []>, precision = #tpu.contract_precision<fp32>, transpose_lhs_hint = false} : vector<1000x128xf32>, vector<128x128xf32>, vector<1000x128xf32> -> vector<1000x128xf32>
    %swap3A_29 = arith.constant 0 : index
    %swap3A_30 = arith.constant 0 : index
    %swap3A_31 = vector.load %arg9[%swap3A_29, %swap3A_30] : memref<1000x128xf32, #tpu.memory_space<vmem>>, vector<1000x128xf32>
    tpu.vector_store %arg9[%swap3A_29, %swap3A_30], %dot_general3A_28 {strides = array<i32>} : memref<1000x128xf32, #tpu.memory_space<vmem>>, vector<1000x128xf32>,
    %reduce_max3A = vector.shape_cast %dot_general3A_12 : vector<1000x16xf32> to vector<1x1000x16xf32>
    %reduce_max3A_32 = arith.constant dense<0xFF800000> : vector<1xf32>
    %reduce_max3A_33 = vector.multi_reduction <maximumf>, %reduce_max3A, %reduce_max3A_32 [1, 2] : vector<1x1000x16xf32> to vector<1xf32>
    %reduce_max3A_34 = vector.shape_cast %reduce_max3A_33 : vector<1xf32> to vector<1x1x1xf32>
    %reduce_max3A_35 = vector.extract %reduce_max3A_34[0, 0, 0] : f32 from vector<1x1x1xf32>
    %reduce_max3A_36 = vector.shape_cast %dot_general3A_20 : vector<1000x16xf32> to vector<1x1000x16xf32>
    %reduce_max3A_37 = arith.constant dense<0xFF800000> : vector<1xf32>
    %reduce_max3A_38 = vector.multi_reduction <maximumf>, %reduce_max3A_36, %reduce_max3A_37 [1, 2] : vector<1x1000x16xf32> to vector<1xf32>
    %reduce_max3A_39 = vector.shape_cast %reduce_max3A_38 : vector<1xf32> to vector<1x1x1xf32>
    %reduce_max3A_40 = vector.extract %reduce_max3A_39[0, 0, 0] : f32 from vector<1x1x1xf32>
    %eq3A = arith.constant 0 : i32
    %eq3A_41 = arith.cmpi eq, %arg0, %eq3A : i32
    %convert_element_type3A = arith.extui %eq3A_41 : i1 to i32
    %cond3A = arith.constant 0 : i32
    %cond3A_42 = arith.cmpi ne, %convert_element_type3A, %cond3A : i32
    scf.if %cond3A_42 {
      %swap3A_52 = arith.constant 0 : index
      %swap3A_53 = memref.load %arg11[%swap3A_52] : memref<2xf32, #tpu.memory_space<smem>>
      memref.store %reduce_max3A_35, %arg11[%swap3A_52] : memref<2xf32, #tpu.memory_space<smem>>
      %swap3A_54 = arith.constant 1 : index
      %swap3A_55 = memref.load %arg11[%swap3A_54] : memref<2xf32, #tpu.memory_space<smem>>
      memref.store %reduce_max3A_40, %arg11[%swap3A_54] : memref<2xf32, #tpu.memory_space<smem>>
    } else {
    }
    %gt3A = arith.constant 0 : i32
    %gt3A_43 = arith.cmpi sgt, %arg0, %gt3A : i32
    %convert_element_type3A_44 = arith.extui %gt3A_43 : i1 to i32
    %cond3A_45 = arith.constant 0 : i32
    %cond3A_46 = arith.cmpi ne, %convert_element_type3A_44, %cond3A_45 : i32
    scf.if %cond3A_46 {
      %get3A_52 = arith.constant 0 : index
      %get3A_53 = memref.load %arg11[%get3A_52] : memref<2xf32, #tpu.memory_space<smem>>
      %max3A = arith.maximumf %get3A_53, %reduce_max3A_35 : f32
      %swap3A_54 = arith.constant 0 : index
      %swap3A_55 = memref.load %arg11[%swap3A_54] : memref<2xf32, #tpu.memory_space<smem>>
      memref.store %max3A, %arg11[%swap3A_54] : memref<2xf32, #tpu.memory_space<smem>>
      %get3A_56 = arith.constant 1 : index
      %get3A_57 = memref.load %arg11[%get3A_56] : memref<2xf32, #tpu.memory_space<smem>>
      %max3A_58 = arith.maximumf %get3A_57, %reduce_max3A_40 : f32
      %swap3A_59 = arith.constant 1 : index
      %swap3A_60 = memref.load %arg11[%swap3A_59] : memref<2xf32, #tpu.memory_space<smem>>
      memref.store %max3A_58, %arg11[%swap3A_59] : memref<2xf32, #tpu.memory_space<smem>>
    } else {
    }
    %eq3A_47 = arith.constant 9 : i32
    %eq3A_48 = arith.cmpi eq, %arg0, %eq3A_47 : i32
    %convert_element_type3A_49 = arith.extui %eq3A_48 : i1 to i32
    %cond3A_50 = arith.constant 0 : i32
    %cond3A_51 = arith.cmpi ne, %convert_element_type3A_49, %cond3A_50 : i32
    scf.if %cond3A_51 {
      %get3A_52 = arith.constant 0 : index
      %get3A_53 = memref.load %arg11[%get3A_52] : memref<2xf32, #tpu.memory_space<smem>>
      %get3A_54 = arith.constant 1 : index
      %get3A_55 = memref.load %arg11[%get3A_54] : memref<2xf32, #tpu.memory_space<smem>>
      %add3A = arith.addf %get3A_53, %get3A_55 : f32
      %ge3A = arith.constant 0.000000e+00 : f32
      %ge3A_56 = arith.cmpf oge, %add3A, %ge3A : f32
      %mul3A = arith.constant 2.000000e-01 : f32
      %mul3A_57 = arith.mulf %mul3A, %add3A : f32
      %select_n3A = arith.select %ge3A_56, %add3A, %mul3A_57 : f32
      %broadcast_in_dim3A = vector.broadcast %select_n3A : f32 to vector<8x128xf32>
      %swap3A_58 = arith.constant 0 : index
      %swap3A_59 = arith.constant 0 : index
      %swap3A_60 = vector.load %arg10[%swap3A_58, %swap3A_59] : memref<8x128xf32, #tpu.memory_space<vmem>>, vector<8x128xf32>
      tpu.vector_store %arg10[%swap3A_58, %swap3A_59], %broadcast_in_dim3A {strides = array<i32>} : memref<8x128xf32, #tpu.memory_space<vmem>>, vector<8x128xf32>,
    } else {
    }
    return
  }
  func.func @transform_0(%arg0: i32) -> (i32, i32) {
    %c0_i32 = arith.constant 0 : i32
    %c0_i32_0 = arith.constant 0 : i32
    return %arg0, %c0_i32 : i32, i32
  }
  func.func @transform_1(%arg0: i32) -> (i32, i32) {
    %c0_i32 = arith.constant 0 : i32
    %c0_i32_0 = arith.constant 0 : i32
    %c0_i32_1 = arith.constant 0 : i32
    return %c0_i32, %c0_i32_0 : i32, i32
  }
  func.func @transform_2(%arg0: i32) -> (i32, i32) {
    %c0_i32 = arith.constant 0 : i32
    %c0_i32_0 = arith.constant 0 : i32
    %c0_i32_1 = arith.constant 0 : i32
    return %c0_i32, %c0_i32_0 : i32, i32
  }
  func.func @transform_3(%arg0: i32) -> (i32, i32) {
    %c0_i32 = arith.constant 0 : i32
    %c0_i32_0 = arith.constant 0 : i32
    %c0_i32_1 = arith.constant 0 : i32
    return %c0_i32, %c0_i32_0 : i32, i32
  }
  func.func @transform_4(%arg0: i32) -> (i32, i32) {
    %c0_i32 = arith.constant 0 : i32
    %c0_i32_0 = arith.constant 0 : i32
    %c0_i32_1 = arith.constant 0 : i32
    return %c0_i32, %c0_i32_0 : i32, i32
  }
  func.func @transform_5(%arg0: i32) -> (i32, i32) {
    %c0_i32 = arith.constant 0 : i32
    %c0_i32_0 = arith.constant 0 : i32
    return %arg0, %c0_i32 : i32, i32
  }
  func.func @transform_6(%arg0: i32) -> (i32, i32) {
    %c0_i32 = arith.constant 0 : i32
    %c0_i32_0 = arith.constant 0 : i32
    return %arg0, %c0_i32 : i32, i32
  }
  func.func @transform_7(%arg0: i32) -> (i32, i32) {
    %c0_i32 = arith.constant 0 : i32
    %c0_i32_0 = arith.constant 0 : i32
    return %arg0, %c0_i32 : i32, i32
  }
  func.func @transform_8(%arg0: i32) -> (i32, i32) {
    %c0_i32 = arith.constant 0 : i32
    %c0_i32_0 = arith.constant 0 : i32
    return %arg0, %c0_i32 : i32, i32
  }
  func.func @transform_9(%arg0: i32) -> (i32, i32) {
    %c0_i32 = arith.constant 0 : i32
    %c0_i32_0 = arith.constant 0 : i32
    %c0_i32_1 = arith.constant 0 : i32
    return %c0_i32, %c0_i32_0 : i32, i32
  }
}

module attributes {stable_mosaic.version = 14 : i64} {
  func.func @_stage_c_body(%arg0: i32, %arg1: memref<2x1000x128xf32, #tpu.memory_space<vmem>>, %arg2: memref<2x1000x16xf32, #tpu.memory_space<vmem>>, %arg3: memref<1000x128xf32, #tpu.memory_space<vmem>>, %arg4: memref<16x128xf32, #tpu.memory_space<vmem>>, %arg5: memref<1000x128xf32, #tpu.memory_space<vmem>>) attributes {dimension_semantics = [#tpu.dimension_semantics<arbitrary>], iteration_bounds = array<i64: 10>, scalar_prefetch = 0 : i64, scratch_operands = 0 : i64, tpu.core_type = #tpu.core_type<tc>, window_params = [{transform_indices = @transform_0, window_bounds = array<i64: 2, 1000, 128>}, {transform_indices = @transform_1, window_bounds = array<i64: 2, 1000, 16>}, {transform_indices = @transform_2, window_bounds = array<i64: 1000, 128>}, {pipeline_mode = #tpu.pipeline_mode<synchronous>, transform_indices = @transform_3, window_bounds = array<i64: 16, 128>}, {transform_indices = @transform_4, window_bounds = array<i64: 1000, 128>}]} {
    %get3A = arith.constant 0 : index
    %get3A_0 = arith.constant 0 : index
    %get3A_1 = arith.constant 0 : index
    %get3A_2 = vector.load %arg1[%get3A, %get3A_0, %get3A_1] : memref<2x1000x128xf32, #tpu.memory_space<vmem>>, vector<1x1000x128xf32>
    %get3A_3 = vector.shape_cast %get3A_2 : vector<1x1000x128xf32> to vector<1000x128xf32>
    %get3A_4 = arith.constant 1 : index
    %get3A_5 = arith.constant 0 : index
    %get3A_6 = arith.constant 0 : index
    %get3A_7 = vector.load %arg1[%get3A_4, %get3A_5, %get3A_6] : memref<2x1000x128xf32, #tpu.memory_space<vmem>>, vector<1x1000x128xf32>
    %get3A_8 = vector.shape_cast %get3A_7 : vector<1x1000x128xf32> to vector<1000x128xf32>
    %add3A = arith.addf %get3A_3, %get3A_8 : vector<1000x128xf32>
    %get3A_9 = arith.constant 0 : index
    %get3A_10 = arith.constant 0 : index
    %get3A_11 = arith.constant 0 : index
    %get3A_12 = vector.load %arg2[%get3A_9, %get3A_10, %get3A_11] : memref<2x1000x16xf32, #tpu.memory_space<vmem>>, vector<1x1000x16xf32>
    %get3A_13 = vector.shape_cast %get3A_12 : vector<1x1000x16xf32> to vector<1000x16xf32>
    %get3A_14 = arith.constant 1 : index
    %get3A_15 = arith.constant 0 : index
    %get3A_16 = arith.constant 0 : index
    %get3A_17 = vector.load %arg2[%get3A_14, %get3A_15, %get3A_16] : memref<2x1000x16xf32, #tpu.memory_space<vmem>>, vector<1x1000x16xf32>
    %get3A_18 = vector.shape_cast %get3A_17 : vector<1x1000x16xf32> to vector<1000x16xf32>
    %add3A_19 = arith.addf %get3A_13, %get3A_18 : vector<1000x16xf32>
    %get3A_20 = arith.constant 0 : index
    %get3A_21 = arith.constant 0 : index
    %get3A_22 = vector.load %arg4[%get3A_20, %get3A_21] : memref<16x128xf32, #tpu.memory_space<vmem>>, vector<16x128xf32>
    %dot_general3A = arith.constant dense<0.000000e+00> : vector<1000x128xf32>
    %dot_general3A_23 = tpu.matmul %add3A_19, %get3A_22, %dot_general3A {dimension_numbers = #tpu.dot_dimension_numbers<[1], [0], [0], [1], [0, 0, 1, 1], [], []>, precision = #tpu.contract_precision<fp32>, transpose_lhs_hint = false} : vector<1000x16xf32>, vector<16x128xf32>, vector<1000x128xf32> -> vector<1000x128xf32>
    %add3A_24 = arith.constant 1.000000e-16 : f32
    %add3A_25 = vector.broadcast %add3A_24 : f32 to vector<1000x128xf32>
    %add3A_26 = arith.addf %dot_general3A_23, %add3A_25 : vector<1000x128xf32>
    %div3A = arith.divf %add3A, %add3A_26 : vector<1000x128xf32>
    %get3A_27 = arith.constant 0 : index
    %get3A_28 = arith.constant 0 : index
    %get3A_29 = vector.load %arg3[%get3A_27, %get3A_28] : memref<1000x128xf32, #tpu.memory_space<vmem>>, vector<1000x128xf32>
    %add3A_30 = arith.addf %div3A, %get3A_29 : vector<1000x128xf32>
    %swap3A = arith.constant 0 : index
    %swap3A_31 = arith.constant 0 : index
    %swap3A_32 = vector.load %arg5[%swap3A, %swap3A_31] : memref<1000x128xf32, #tpu.memory_space<vmem>>, vector<1000x128xf32>
    tpu.vector_store %arg5[%swap3A, %swap3A_31], %add3A_30 {strides = array<i32>} : memref<1000x128xf32, #tpu.memory_space<vmem>>, vector<1000x128xf32>,
    return
  }
  func.func @transform_0(%arg0: i32) -> (i32, i32, i32) {
    %c0_i32 = arith.constant 0 : i32
    %c0_i32_0 = arith.constant 0 : i32
    %c0_i32_1 = arith.constant 0 : i32
    return %c0_i32, %arg0, %c0_i32_0 : i32, i32, i32
  }
  func.func @transform_1(%arg0: i32) -> (i32, i32, i32) {
    %c0_i32 = arith.constant 0 : i32
    %c0_i32_0 = arith.constant 0 : i32
    %c0_i32_1 = arith.constant 0 : i32
    return %c0_i32, %arg0, %c0_i32_0 : i32, i32, i32
  }
  func.func @transform_2(%arg0: i32) -> (i32, i32) {
    %c0_i32 = arith.constant 0 : i32
    %c0_i32_0 = arith.constant 0 : i32
    return %arg0, %c0_i32 : i32, i32
  }
  func.func @transform_3(%arg0: i32) -> (i32, i32) {
    %c0_i32 = arith.constant 0 : i32
    %c0_i32_0 = arith.constant 0 : i32
    %c0_i32_1 = arith.constant 0 : i32
    return %c0_i32, %c0_i32_0 : i32, i32
  }
  func.func @transform_4(%arg0: i32) -> (i32, i32) {
    %c0_i32 = arith.constant 0 : i32
    %c0_i32_0 = arith.constant 0 : i32
    return %arg0, %c0_i32 : i32, i32
  }
}

</mosaic_0001>

<sc_bundles>
// kernel: kernel.5.cloned.1.call-start
scs
__scs_entry_jumppad:
0x0: {  	(pc) =	sbr.rel $0x88, $3  }
0x1: {  	(tag) =	ssettag $0x0;
	lr =	simm.s32 $0x1  }
0x2: {  	[smem:$0x3F9B] =	sst lr;
	_ =	strace $0xD0000000  }
0x3: {  	_ = 	snop  }
0x4: {  	_ = 	snop  }
0x5: {  	_ = 	snop  }
0x6: {  	_ = 	snop  }
0x7: {  	_ = 	snop  }
__scs_overlays_trampoline_lowered:
0x8: {  	[smem:$0x3FAA] =	sst s0  }
0x9: {  	[smem:$0x3FAB] =	sst s1  }
0xa: {  	[smem:$0x3FAC] =	sst s2  }
0xb: {  	[smem:$0x3FAD] =	sst s3  }
0xc: {  	[smem:$0x3FAE] =	sst s4  }
0xd: {  	[smem:$0x3FAF] =	sst s5  }
0xe: {  	[smem:$0x3FB0] =	sst s6  }
0xf: {  	[smem:$0x3FB1] =	sst s7  }
0x10: {  	[smem:$0x3FB2] =	sst s8  }
0x11: {  	[smem:$0x3FB3] =	sst s9;
	s0 =	simm.s32 @!p0 $0x0  }
0x12: {  	s1 =	sld [smem:$0x3F99];
	s0 =	simm.s32 @p0 $0x1  }
0x13: {  	[smem:$0x3FB4] =	sst s0;
	s0 =	simm.s32 @!p1 $0x0  }
0x14: {  	s2 =	sld [smem:$0x3F98];
	s0 =	simm.s32 @p1 $0x1  }
0x15: {  	[smem:$0x3FB5] =	sst s0;
	s0 =	simm.s32 @!p2 $0x0  }
0x16: {  	s3 =	sld [smem:$0x3FDB];
	s0 =	simm.s32 @p2 $0x1  }
0x17: {  	s4 =	simm.s32 $0x1BF5;
	[smem:$0x3FB7] =	sst s0  }
0x18: {  	s0 =	sld [smem:$0x3F9A];
	_ =	swait.ge [sflag:s4], $0x0  }
0x19: {  	s7 =	sld [smem:$0x3F9B]  }
0x1a: {  	s8 =	sadd.s32 $0xFFFFE003, lr  }
0x1b: {  	s9 =	sadd.s32 $0xFFFFFEF7, lr;
	s5 =	simm.s32 $0xFFFFFFFF;
	p2 =	slt.u32 s8, $0xFFFFF086  }
0x1c: {  	p1 =	slt.u32 s9, $0xF7A;
	s5 =	simm.s32 @!p2 $0x0  }
0x1d: {  	s5 =	simm.s32 @p1 $0x1;
	p0 =	seq.s32 s7, s2  }
0x1e: {  	s7 =	smul.u32 @!p0 $0xF7A, s2;
	p2 =	seq.s32 @!p0 s5, $0x0  }
0x1f: {  	s9 =	smul.u32 $0xF7A, s1;
	s8 =	simm.s32 @!p0 $0x1BF5;
	p2 =	por !p2, p0  }
0x20: {  	[sflag:s8] =	ssyncset.s32 @!p0 $0xFFFFF086;
	s6 =	sadd.s32 @!p0 s3, s7;
	s7 =	simm.s32 @!p0 $0x108  }
0x21: {  	s3 =	sadd.s32 s3, s9;
	s6 =	sadd.s32 @!p0 $0x88, s6;
	s7 =	simm.s32 @p2 $0x1082  }
0x22: {  	[simem:s7], [sflag:s8] =	dma.local @!p0 [hbm:s6], $0xF7A  }
0x23: {  	s9 =	sor.u32 $0xD0000000, s2;
	s6 =	simm.s32 $0x108;
	_ =	swait.ge @!p0 [sflag:s8], $0x0  }
0x24: {  	s3 =	sadd.s32 $0x88, s3;
	s6 =	simm.s32 @!p1 $0x1082;
	[sflag:s4] =	ssyncset.s32 $0xFFFFF086  }
0x25: {  	[simem:s6], [sflag:s4] =	dma.local [hbm:s3], $0xF7A  }
0x26: {  	[smem:$0x3F9B] =	sst s1;
	(tag) =	ssettag s2;
	_ =	strace s9  }
0x27: {  	s1 =	sld [smem:$0x3FAB]  }
0x28: {  	s2 =	sld [smem:$0x3FAC]  }
0x29: {  	s4 =	sld [smem:$0x3FAE]  }
0x2a: {  	p0 =	seq.s32 s5, $0x0;
	s5 =	sld [smem:$0x3FAF]  }
0x2b: {  	s6 =	sld [smem:$0x3FB0]  }
0x2c: {  	s7 =	sld [smem:$0x3FB1]  }
0x2d: {  	s3 =	simm.s32 $0x108;
	s8 =	sld [smem:$0x3FB2]  }
0x2e: {  	s3 =	simm.s32 @!p0 $0x1082;
	s9 =	sld [smem:$0x3FB3]  }
0x2f: {  	lr =	sadd.s32 s0, s3;
	s0 =	sld [smem:$0x3FAA]  }
0x30: {  	s3 =	sld [smem:$0x3FAD]  }
0x31: {  	[smem:$0x3FB6] =	sst s10  }
0x32: {  	s10 =	sld [smem:$0x3FB4];
	_ =	sdelay $0x3  }
0x33: {  	p0 =	seq.s32 s10, $0x1;
	s10 =	sld [smem:$0x3FB6];
	_ =	sdelay $0x3  }
0x34: {  	[smem:$0x3FB6] =	sst s10  }
0x35: {  	s10 =	sld [smem:$0x3FB5];
	_ =	sdelay $0x3  }
0x36: {  	p1 =	seq.s32 s10, $0x1;
	s10 =	sld [smem:$0x3FB6];
	_ =	sdelay $0x3  }
0x37: {  	[smem:$0x3FB6] =	sst s10  }
0x38: {  	s10 =	sld [smem:$0x3FB7]  }
0x39: {  	_ = 	snop;
	(pc) =	sbr.ind lr, $3  }
0x3a: {  	_ = 	snop  }
0x3b: {  	_ = 	snop  }
0x3c: {  	p2 =	seq.s32 s10, $0x1;
	s10 =	sld [smem:$0x3FB6]  }
0x3d: {  	_ =	shalt  }
0x3e: {  	_ =	shalt  }
0x3f: {  	_ =	shalt  }
0x40: {  	_ =	shalt  }
0x41: {  	_ =	shalt  }
0x42: {  	_ =	shalt  }
0x43: {  	_ =	shalt  }
0x44: {  	_ =	shalt  }
0x45: {  	_ =	shalt  }
0x46: {  	_ =	shalt  }
0x47: {  	_ =	shalt  }
0x48: {  	_ =	shalt  }
0x49: {  	_ =	shalt  }
0x4a: {  	_ =	shalt  }
0x4b: {  	_ =	shalt  }
0x4c: {  	_ =	shalt  }
0x4d: {  	_ =	shalt  }
0x4e: {  	_ =	shalt  }
0x4f: {  	_ =	shalt  }
0x50: {  	_ =	shalt  }
0x51: {  	_ =	shalt  }
0x52: {  	_ =	shalt  }
0x53: {  	_ =	shalt  }
0x54: {  	_ =	shalt  }
0x55: {  	_ =	shalt  }
0x56: {  	_ =	shalt  }
0x57: {  	_ =	shalt  }
0x58: {  	_ =	shalt  }
0x59: {  	_ =	shalt  }
0x5a: {  	_ =	shalt  }
0x5b: {  	_ =	shalt  }
0x5c: {  	_ =	shalt  }
0x5d: {  	_ =	shalt  }
0x5e: {  	_ =	shalt  }
0x5f: {  	_ =	shalt  }
0x60: {  	_ =	shalt  }
0x61: {  	_ =	shalt  }
0x62: {  	_ =	shalt  }
0x63: {  	_ =	shalt  }
0x64: {  	_ =	shalt  }
0x65: {  	_ =	shalt  }
0x66: {  	_ =	shalt  }
0x67: {  	_ =	shalt  }
0x68: {  	_ =	shalt  }
0x69: {  	_ =	shalt  }
0x6a: {  	_ =	shalt  }
0x6b: {  	_ =	shalt  }
0x6c: {  	_ =	shalt  }
0x6d: {  	_ =	shalt  }
0x6e: {  	_ =	shalt  }
0x6f: {  	_ =	shalt  }
0x70: {  	_ =	shalt  }
0x71: {  	_ =	shalt  }
0x72: {  	_ =	shalt  }
0x73: {  	_ =	shalt  }
0x74: {  	_ =	shalt  }
0x75: {  	_ =	shalt  }
0x76: {  	_ =	shalt  }
0x77: {  	_ =	shalt  }
0x78: {  	_ =	shalt  }
0x79: {  	_ =	shalt  }
0x7a: {  	_ =	shalt  }
0x7b: {  	_ =	shalt  }
0x7c: {  	_ =	shalt  }
0x7d: {  	_ =	shalt  }
0x7e: {  	_ =	shalt  }
0x7f: {  	_ =	shalt  }
0x80: {  	_ =	shalt  }
0x81: {  	_ =	shalt  }
0x82: {  	_ =	shalt  }
0x83: {  	_ =	shalt  }
0x84: {  	_ =	shalt  }
0x85: {  	_ =	shalt  }
0x86: {  	_ =	shalt  }
0x87: {  	_ =	shalt  }
.Lfunc_end0:
.L_simem_size_0:
called_computation_lowered:
.L_overlay_start_0:
0x88: {  	s2 =	sld [smem:$0x3FD9]  }
0x89: {  	s3 =	sld [smem:$0x3FFE];
	_ =	sdelay $0x1  }
0x8a: {  	s1 =	srdreg.scid  }
0x8b: {  	s0 =	sand.u32 $0x1, s1  }
0x8c: {  	s17 =	sshll.u32 s0, $0xA;
	s2 =	sadd.s32 s3, s2  }
0x8d: {  	s2 =	sadd.s32 s2, s17  }
0x8e: {  	[smem:$0x3FC2] =	sst s2  }
0x8f: {  	_ = 	snop  }
0x90: {  	s2 =	sld [smem:$0x3FD0];
	(tm) =	ssettm $0x1  }
0x91: {  	s18 =	sld [smem:$0x3FFB];
	_ =	sdelay $0x3  }
0x92: {  	_ =	strace s18  }
0x93: {  	s3 =	sld [smem:$0x3FFC];
	_ =	sdelay $0x3  }
0x94: {  	_ =	strace s3  }
0x95: {  	s3 =	sld [smem:$0x3FFD];
	_ =	sdelay $0x3  }
0x96: {  	_ =	strace s3  }
0x97: {  	_ =	strace $0x8FFFFFFF  }
0x98: {  	s19 =	sld [smem:$0x3FDB];
	_ =	sdelay $0x1  }
0x99: {  	s4 =	simm.s32 $_scs_section_size  }
0x9a: {  	s5 =	simm.s32 $_size__tile_overlayer_lowered;
	s6 =	simm.s32 $_tile_overlayer_lowered  }
0x9b: {  	s22 =	simm.s32 $0x1BFF;
	s21 =	sshll.u32 s6, $0x1;
	s3 =	sadd.s32 s4, s19  }
0x9c: {  	s7 =	simm.s32 $0x0;
	s20 =	sshll.u32 s5, $0x1;
	s5 =	sadd.s32 s21, s3  }
0x9d: {  	[timem:s7], [sflag:s22] =	dma.local [hbm:s5], s20  }
0x9e: {  	_ =	swait.ge [sflag:s22], s20  }
0x9f: {  	s4 =	ssub.s32 $0x0, s20;
	[sflag:s22] =	ssyncset.done $0x0  }
0xa0: {  	[sflag:s22] =	ssyncadd.s32 s4;
	_ =	sdelay $0x1  }
0xa1: {  	s23 =	simm.s32 $0x1B8B  }
0xa2: {  	_ =	swait.ge [sflag:s23], $0x1  }
0xa3: {  	[sflag:s23] =	ssyncset.done $0x0  }
0xa4: {  	s25 =	simm.s32 $0x1B8E;
	s24 =	sld [smem:$0x3FFE];
	[sflag:s23] =	ssyncadd.s32 $0xFFFFFFFF  }
0xa5: {  	s26 =	simm.s32 $execute0_lowered;
	[smem:$0x3FD2] =	sst s25  }
0xa6: {  	s5 =	sshll.u32 s26, $0x1;
	_ =	strace $0x80000046;
	[dreg:$0x1] =	wrdreg $0xFFFFFFFF  }
0xa7: {  	s28 =	simm.s32 $_size_execute0_lowered;
	s3 =	sadd.s32 s3, s5;
	[dreg:$0x0] =	wrdreg $0x0  }
0xa8: {  	s5 =	sshll.u32 s28, $0x1;
	[dreg:$0x2] =	wrdreg s3  }
0xa9: {  	[dreg:$0x3] =	wrdreg s5  }
0xaa: {  	[dreg:$0x4] =	wrdreg $0xC0  }
0xab: {  	_ =	task [dreg:s7], $0x5FFFF  }
0xac: {  	[dreg:$0x1] =	wrdreg $0xFFFFFFFF  }
0xad: {  	[dreg:$0x0] =	wrdreg $0x60  }
0xae: {  	[dreg:$0x2] =	wrdreg s2  }
0xaf: {  	[dreg:$0x3] =	wrdreg s24  }
0xb0: {  	[dreg:$0x4] =	wrdreg $0x0  }
0xb1: {  	[dreg:$0x5] =	wrdreg $0x140000  }
0xb2: {  	[dreg:$0x6] =	wrdreg $0x9  }
0xb3: {  	_ =	task.clear_ibuf [dreg:s7], $0x7FFFF;
	_ =	strace $0x90000046  }
0xb4: {  	s29 =	simm.s32 $0x9;
	_ =	strace $0x80000048  }
0xb5: {  	_ =	swait.ge [sflag:s29], $0x1  }
0xb6: {  	[sflag:s29] =	ssyncadd.s32 $0xFFFFFFFF  }
0xb7: {  	_ =	strace $0x90000048  }
0xb8: {  	_ =	sfence  }
0xb9: {  	s30 =	sld [smem:$0x0];
	_ =	sdelay $0x2  }
0xba: {  	s31 =	sshll.u32 s1, $0xD;
	s1 =	sshrl.u32 s1, $0x2  }
0xbb: {  	s3 =	sand.u32 $0x4000, s31;
	s1 =	sadd.s32 s1, s30  }
0xbc: {  	s0 =	sor.u32 s3, s0;
	s1 =	sshll.u32 s1, $0x11  }
0xbd: {  	s0 =	sor.u32 s1, s0  }
0xbe: {  	s0 =	sadd.s32 $0x8F2B, s0  }
0xbf: {  	[sflag:s0] =	ssyncadd.remote.s32 $0x1  }
0xc0: {  	_ =	sfence.sel $0xFFFF  }
0xc1: {  	[dreg:$0x0] =	wrdreg $0xFFFFFFFF;
	(pc) =	sbr.abs _section_cstart, $3  }
0xc2: {  	[dreg:$0x1] =	wrdreg $0xFFFFFFFF  }
0xc3: {  	_ =	task.clear_ibuf [dreg:s7], $0x2FFFF;
	_ =	strace $0x9FFFFFFF  }
0xc4: {  	(tm) =	ssettm $0x7FFFFFFF  }
0xc5: {  	_ =	shalt  }
tec
execute0_lowered:
.L_overlay_start_1:
0x0: {  	(tag) =	ssettag $0x1  }
0x1: {  	s1 =	rddreg [dreg:$0x0]  }
0x2: {  	s0 =	rddreg [dreg:$0x1]  }
0x3: {  	s2 =	rddreg [dreg:$0x2]  }
0x4: {  	s3 =	rddreg [dreg:$0x3];
	s5 =	simm.s32 $0x0  }
0x5: {  	s4 =	srdreg.scid;
	s16 =	stileid.u32;
	s28 =	simm.s32 $0x19FF0  }
0x6: {  	s29 =	simm.s32 $0x1A040;
	s30 =	simm.s32 $0x1C840;
	s31 =	simm.s32 $0x1CD40  }
0x7: {  	[smem:$0x7FF] =	sst s5;
	s4 =	sand.u32 $0x1, s4;
	s11 =	smul.u32 $0x14000, s16  }
0x8: {  	s6 =	sadd.s32 $0x14A00, s0;
	s7 =	sadd.s32 $0x19A00, s0;
	s21 =	smul.u32 $0x2800, s16  }
0x9: {  	s8 =	sadd.s32 $0xAA00, s0;
	s9 =	sadd.s32 $0xC00, s0;
	s26 =	smul.u32 $0x50000, s16  }
0xa: {  	s12 =	sadd.s32 $0x14800, s0;
	s20 =	sadd.s32 $0x1EC00, s0;
	s17 =	smul.u32 $0xA000, s16  }
0xb: {  	s10 =	smul.u32 $0x140000, s4;
	_ =	strace $0x80000047;
	[dreg:$0x5] =	wrdreg s12  }
0xc: {  	s13 =	sadd.s32 $0x1EA00, s0;
	s19 =	smul.u32 $0x28000, s4;
	[dreg:$0x6] =	wrdreg s20  }
0xd: {  	[dreg:$0x7] =	wrdreg s13;
	s22 =	sshll.u32 s4, $0x4;
	s4 =	ssub.s32 $0x2, s4  }
0xe: {  	s13 =	smul.u32 $0x280, s16;
	s23 =	sor.u32 s16, s22;
	s24 =	sshrl.u32 s4, $0x1  }
0xf: {  	s18 =	sshrl.u32 s26, $0x2;
	s10 =	sadd.s32 s11, s10;
	s14 =	smul.u32 $0x4E2, s23  }
0x10: {  	s11 =	sadd.s32 s21, s19;
	s12 =	smul.u32 $0x7D, s23;
	s4 =	ssub.s32 s4, s24  }
0x11: {  	s19 =	sshrl.u32 s17, $0x2;
	s20 =	sor.u32 $0x50, s13;
	s23 =	sadd.s32 $0xA0, s13  }
0x12: {  	s10 =	sshrl.u32 s10, $0x3;
	s11 =	sshrl.u32 s11, $0x3;
	s4 =	smax.u32 s4, $0x1  }
0x13: {  	s21 =	sshll.u32 s20, $0x7;
	s24 =	sshll.u32 s23, $0x7;
	s10 =	sadd.s32 s10, s0  }
0x14: {  	s0 =	sadd.s32 s11, s0;
	s25 =	sadd.s32 s8, s14;
	s14 =	sadd.s32 s9, s14  }
0x15: {  	s15 =	sadd.s32 $0x1, s12;
	s16 =	sadd.s32 $0x2, s12;
	[dreg:$0xa] =	wrdreg s4  }
0x16: {  	s4 =	sadd.s32 s18, s2;
	s11 =	sshll.u32 s20, $0x4;
	[dreg:$0x8] =	wrdreg s25  }
0x17: {  	s12 =	sadd.s32 $0x140, s13;
	s18 =	sadd.s32 $0x190, s13;
	[dreg:$0x9] =	wrdreg s14  }
0x18: {  	s20 =	sadd.s32 $0x1E0, s13;
	[dreg:$0xb] =	wrdreg s4;
	s4 =	sadd.s32 s19, s3  }
0x19: {  	s22 =	sadd.s32 s11, s3;
	s25 =	sadd.s32 $0xF0, s13;
	[dreg:$0xc] =	wrdreg s4  }
0x1a: {  	s11 =	sadd.s32 s24, s2;
	s14 =	sshll.u32 s12, $0x7;
	[dreg:$0xe] =	wrdreg s22  }
0x1b: {  	s19 =	sshll.u32 s18, $0x7;
	s4 =	sadd.s32 s21, s2;
	[dreg:$0xf] =	wrdreg s11  }
0x1c: {  	s26 =	sshll.u32 s25, $0x7;
	s11 =	sshll.u32 s25, $0x4;
	s21 =	sshll.u32 s20, $0x7  }
0x1d: {  	s22 =	sshll.u32 s20, $0x4;
	[dreg:$0xd] =	wrdreg s4;
	s4 =	sshll.u32 s23, $0x4  }
0x1e: {  	s20 =	simm.s32 $0x16800;
	s23 =	sadd.s32 $0x230, s13;
	s4 =	sadd.s32 s4, s3  }
0x1f: {  	s13 =	simm.s32 $0x168A0;
	[dreg:$0x10] =	wrdreg s4;
	s4 =	sadd.s32 s26, s2  }
0x20: {  	s24 =	sshll.u32 s23, $0x7;
	s26 =	sadd.s32 $0x29200, s10;
	[dreg:$0x11] =	wrdreg s4  }
0x21: {  	s10 =	simm.s32 $0x0;
	s4 =	sadd.s32 s11, s3;
	[dreg:$0x1b] =	wrdreg s26  }
0x22: {  	s11 =	sshll.u32 s12, $0x4;
	[dreg:$0x12] =	wrdreg s4;
	s4 =	sadd.s32 s14, s2  }
0x23: {  	s26 =	simm.s32 $0x19FA0;
	s17 =	sadd.s32 s11, s3;
	[dreg:$0x13] =	wrdreg s4  }
0x24: {  	s11 =	sadd.s32 s19, s2;
	s14 =	simm.s32 $0x3;
	[dreg:$0x14] =	wrdreg s17  }
0x25: {  	s4 =	sshll.u32 s18, $0x4;
	[dreg:$0x15] =	wrdreg s11;
	s11 =	sshll.u32 s23, $0x4  }
0x26: {  	s17 =	simm.s32 $0x190A0;
	s23 =	simm.s32 $0x195A0;
	s4 =	sadd.s32 s4, s3  }
0x27: {  	s25 =	sadd.s32 s11, s3;
	s11 =	sadd.s32 $0x1F200, s0;
	[dreg:$0x16] =	wrdreg s4  }
0x28: {  	v0 =	vlaneseq.u32;
	s0 =	simm.s32 $0x2;
	s4 =	sadd.s32 s21, s2;
	[dreg:$0x1a] =	wrdreg s25  }
0x29: {  	vm0 =	vmmov $0xf;
	v1 =	vor.u32 $0x10, v0;
	s21 =	simm.s32 $0x16850;
	[dreg:$0x17] =	wrdreg s4;
	s4 =	sadd.s32 s22, s3  }
0x2a: {  	v2 =	vor.u32 $0x20, v0;
	v3 =	vor.u32 $0x30, v0;
	v4 =	vor.u32 $0x40, v0;
	s25 =	simm.s32 $0x1;
	[dreg:$0x18] =	wrdreg s4;
	s4 =	sadd.s32 s24, s2  }
0x2b: {  	v5 =	vor.u32 $0x50, v0;
	v6 =	vor.u32 $0x60, v0;
	v7 =	vor.u32 $0x70, v0;
	s22 =	simm.s32 $0x50;
	s24 =	simm.s32 $0x19AA0;
	[dreg:$0x19] =	wrdreg s4  }
.LBB2_1:
0x2c: {  	[dreg:$0x1c] =	wrdreg s10  }
0x2d: {  	s4 =	rddreg [dreg:$0x6]  }
0x2e: {  	[tilespmem:s13], [sflag:$0x3] =	stream.linear.gather [hbm4b:s4+s5], $0x2800, $0x38;
	[tilespmem:$0x1D250] =	vst v63  }
0x2f: {  	_ =	swait.ge [sflag:s14], $0x2800  }
0x30: {  	[sflag:s14] =	ssyncset.done $0x0  }
0x31: {  	s19 =	rddreg [dreg:$0x7];
	[sflag:s14] =	ssyncadd.s32 $0xFFFFD800  }
0x32: {  	[tilespmem:s17], [sflag:$0x3] =	stream.linear.gather [hbm4b:s19+s5], $0x500, $0x38;
	[tilespmem:$0x1D250] =	vst v63  }
0x33: {  	_ =	swait.ge [sflag:s14], $0x500  }
0x34: {  	[sflag:s14] =	ssyncset.done $0x0  }
0x35: {  	s10 =	rddreg [dreg:$0xb];
	[sflag:s14] =	ssyncadd.s32 $0xFFFFFB00  }
0x36: {  	[spmem:s10] =	stream.linear.scatter [tilespmem:s13], [sflag:$0x3], $0x2800, $0x38;
	[tilespmem:$0x1D250] =	vst v63  }
0x37: {  	_ =	swait.ge [sflag:s14], $0x2800  }
0x38: {  	[sflag:s14] =	ssyncset.done $0x0  }
0x39: {  	s12 =	rddreg [dreg:$0xc];
	[sflag:s14] =	ssyncadd.s32 $0xFFFFD800  }
0x3a: {  	[spmem:s12] =	stream.linear.scatter [tilespmem:s17], [sflag:$0x3], $0x500, $0x38;
	[tilespmem:$0x1D250] =	vst v63  }
0x3b: {  	_ =	swait.ge [sflag:s14], $0x500  }
0x3c: {  	[sflag:s14] =	ssyncset.done $0x0  }
0x3d: {  	s18 =	rddreg [dreg:$0xd];
	[sflag:s14] =	ssyncadd.s32 $0xFFFFFB00  }
0x3e: {  	[spmem:s18] =	stream.linear.scatter [tilespmem:s13], [sflag:$0x3], $0x2800, $0x38;
	[tilespmem:$0x1D250] =	vst v63  }
0x3f: {  	_ =	swait.ge [sflag:s14], $0x2800  }
0x40: {  	[sflag:s14] =	ssyncset.done $0x0  }
0x41: {  	s19 =	rddreg [dreg:$0xe];
	[sflag:s14] =	ssyncadd.s32 $0xFFFFD800  }
0x42: {  	[spmem:s19] =	stream.linear.scatter [tilespmem:s17], [sflag:$0x3], $0x500, $0x38;
	[tilespmem:$0x1D250] =	vst v63  }
0x43: {  	_ =	swait.ge [sflag:s14], $0x500  }
0x44: {  	[sflag:s14] =	ssyncset.done $0x0  }
0x45: {  	s10 =	rddreg [dreg:$0xf];
	[sflag:s14] =	ssyncadd.s32 $0xFFFFFB00  }
0x46: {  	[spmem:s10] =	stream.linear.scatter [tilespmem:s13], [sflag:$0x3], $0x2800, $0x38;
	[tilespmem:$0x1D250] =	vst v63  }
0x47: {  	_ =	swait.ge [sflag:s14], $0x2800  }
0x48: {  	[sflag:s14] =	ssyncset.done $0x0  }
0x49: {  	s12 =	rddreg [dreg:$0x10];
	[sflag:s14] =	ssyncadd.s32 $0xFFFFD800  }
0x4a: {  	[spmem:s12] =	stream.linear.scatter [tilespmem:s17], [sflag:$0x3], $0x500, $0x38;
	[tilespmem:$0x1D250] =	vst v63  }
0x4b: {  	_ =	swait.ge [sflag:s14], $0x500  }
0x4c: {  	[sflag:s14] =	ssyncset.done $0x0  }
0x4d: {  	s18 =	rddreg [dreg:$0x11];
	[sflag:s14] =	ssyncadd.s32 $0xFFFFFB00  }
0x4e: {  	[spmem:s18] =	stream.linear.scatter [tilespmem:s13], [sflag:$0x3], $0x2800, $0x38;
	[tilespmem:$0x1D250] =	vst v63  }
0x4f: {  	_ =	swait.ge [sflag:s14], $0x2800  }
0x50: {  	[sflag:s14] =	ssyncset.done $0x0  }
0x51: {  	s19 =	rddreg [dreg:$0x12];
	[sflag:s14] =	ssyncadd.s32 $0xFFFFD800  }
0x52: {  	[spmem:s19] =	stream.linear.scatter [tilespmem:s17], [sflag:$0x3], $0x500, $0x38;
	[tilespmem:$0x1D250] =	vst v63  }
0x53: {  	_ =	swait.ge [sflag:s14], $0x500  }
0x54: {  	[sflag:s14] =	ssyncset.done $0x0  }
0x55: {  	s10 =	rddreg [dreg:$0x13];
	[sflag:s14] =	ssyncadd.s32 $0xFFFFFB00  }
0x56: {  	[spmem:s10] =	stream.linear.scatter [tilespmem:s13], [sflag:$0x3], $0x2800, $0x38;
	[tilespmem:$0x1D250] =	vst v63  }
0x57: {  	_ =	swait.ge [sflag:s14], $0x2800  }
0x58: {  	[sflag:s14] =	ssyncset.done $0x0  }
0x59: {  	s12 =	rddreg [dreg:$0x14];
	[sflag:s14] =	ssyncadd.s32 $0xFFFFD800  }
0x5a: {  	[spmem:s12] =	stream.linear.scatter [tilespmem:s17], [sflag:$0x3], $0x500, $0x38;
	[tilespmem:$0x1D250] =	vst v63  }
0x5b: {  	_ =	swait.ge [sflag:s14], $0x500  }
0x5c: {  	[sflag:s14] =	ssyncset.done $0x0  }
0x5d: {  	s18 =	rddreg [dreg:$0x15];
	[sflag:s14] =	ssyncadd.s32 $0xFFFFFB00  }
0x5e: {  	[spmem:s18] =	stream.linear.scatter [tilespmem:s13], [sflag:$0x3], $0x2800, $0x38;
	[tilespmem:$0x1D250] =	vst v63  }
0x5f: {  	_ =	swait.ge [sflag:s14], $0x2800  }
0x60: {  	[sflag:s14] =	ssyncset.done $0x0  }
0x61: {  	s19 =	rddreg [dreg:$0x16];
	[sflag:s14] =	ssyncadd.s32 $0xFFFFD800  }
0x62: {  	[spmem:s19] =	stream.linear.scatter [tilespmem:s17], [sflag:$0x3], $0x500, $0x38;
	[tilespmem:$0x1D250] =	vst v63  }
0x63: {  	_ =	swait.ge [sflag:s14], $0x500  }
0x64: {  	[sflag:s14] =	ssyncset.done $0x0  }
0x65: {  	s10 =	rddreg [dreg:$0x17];
	[sflag:s14] =	ssyncadd.s32 $0xFFFFFB00  }
0x66: {  	[spmem:s10] =	stream.linear.scatter [tilespmem:s13], [sflag:$0x3], $0x2800, $0x38;
	[tilespmem:$0x1D250] =	vst v63  }
0x67: {  	_ =	swait.ge [sflag:s14], $0x2800  }
0x68: {  	[sflag:s14] =	ssyncset.done $0x0  }
0x69: {  	s12 =	rddreg [dreg:$0x18];
	[sflag:s14] =	ssyncadd.s32 $0xFFFFD800  }
0x6a: {  	[spmem:s12] =	stream.linear.scatter [tilespmem:s17], [sflag:$0x3], $0x500, $0x38;
	[tilespmem:$0x1D250] =	vst v63  }
0x6b: {  	_ =	swait.ge [sflag:s14], $0x500  }
0x6c: {  	[sflag:s14] =	ssyncset.done $0x0  }
0x6d: {  	s18 =	rddreg [dreg:$0x19];
	[sflag:s14] =	ssyncadd.s32 $0xFFFFFB00  }
0x6e: {  	[spmem:s18] =	stream.linear.scatter [tilespmem:s13], [sflag:$0x3], $0x2800, $0x38;
	[tilespmem:$0x1D250] =	vst v63  }
0x6f: {  	_ =	swait.ge [sflag:s14], $0x2800  }
0x70: {  	[sflag:s14] =	ssyncset.done $0x0  }
0x71: {  	s19 =	rddreg [dreg:$0x1a];
	[sflag:s14] =	ssyncadd.s32 $0xFFFFD800  }
0x72: {  	[spmem:s19] =	stream.linear.scatter [tilespmem:s17], [sflag:$0x3], $0x500, $0x38;
	[tilespmem:$0x1D250] =	vst v63  }
0x73: {  	_ =	swait.ge [sflag:s14], $0x500  }
0x74: {  	[sflag:s14] =	ssyncset.done $0x0  }
0x75: {  	s12 =	simm.s32 $0x1D240;
	s10 =	rddreg [dreg:$0x5];
	[sflag:s14] =	ssyncadd.s32 $0xFFFFFB00  }
0x76: {  	[tilespmem:s12], [sflag:$0x3] =	stream.linear.gather [hbm4b:s10+s5], $0x10, $0x38;
	[tilespmem:$0x1D250] =	vst v63  }
0x77: {  	_ =	swait.ge [sflag:s14], $0x10  }
0x78: {  	[sflag:s14] =	ssyncset.done $0x0  }
0x79: {  	[sflag:s14] =	ssyncadd.s32 $0xFFFFFFF0  }
0x7a: {  	v8 =	vld [tilespmem:$0x1D240];
	[bflag:$0x0] =	sbarrier.arrive $0xFFFF  }
0x7b: {  	s18 =	rddreg [dreg:$0x8]  }
0x7c: {  	[tilespmem:s20], [sflag:$0x3] =	stream.linear.gather [hbm4b:s18+s5], $0x50, $0x38;
	[tilespmem:$0x1D250] =	vst v63  }
0x7d: {  	_ =	swait.ge [sflag:s14], $0x50  }
0x7e: {  	[sflag:s14] =	ssyncset.done $0x0  }
0x7f: {  	s19 =	rddreg [dreg:$0x9];
	[sflag:s14] =	ssyncadd.s32 $0xFFFFFFB0  }
0x80: {  	[tilespmem:s21], [sflag:$0x3] =	stream.linear.gather [hbm4b:s19+s5], $0x50, $0x38;
	[tilespmem:$0x1D250] =	vst v63  }
0x81: {  	_ =	swait.ge [sflag:s14], $0x50  }
0x82: {  	[sflag:s14] =	ssyncset.done $0x0  }
0x83: {  	[sflag:s14] =	ssyncadd.s32 $0xFFFFFFB0  }
0x84: {  	[tilespmem:s13], [sflag:$0x1] =	stream.indirect.gather [hbm4b:s1+s22], $0x80, s20, s22, $0xb8;
	[tilespmem:$0x1D250] =	vst v63  }
0x85: {  	_ = 	snop  }
0x86: {  	[tilespmem:s23], [sflag:$0x1] =	stream.indirect.gather [hbm4b:s6+s22], $0x10, s20, s22, $0xb8;
	[tilespmem:$0x1D250] =	vst v63  }
0x87: {  	s10 =	simm.s32 $0x0  }
0x88: {  	[tilespmem:s24], [sflag:$0x1] =	stream.indirect.gather [hbm4b:s7+s22], $0x10, s21, s22, $0xb8;
	[tilespmem:$0x1D250] =	vst v63  }
.LBB2_2:
0x89: {  	_ =	swait.ge [sflag:s25], $0x2800  }
0x8a: {  	[sflag:s25] =	ssyncset.done $0x0  }
0x8b: {  	[sflag:s25] =	ssyncadd.s32 $0xFFFFD800  }
0x8c: {  	_ =	swait.ge [sflag:s25], $0x500  }
0x8d: {  	s12 =	sshll.u32 s10, $0x1;
	[sflag:s25] =	ssyncset.done $0x0  }
0x8e: {  	s18 =	sadd.s32 s12, s15;
	[sflag:s25] =	ssyncadd.s32 $0xFFFFFB00  }
0x8f: {  	s18 =	smul.u32 $0xA, s18;
	_ =	swait.ge [sflag:s25], $0x500  }
0x90: {  	[sflag:s25] =	ssyncset.done $0x0  }
0x91: {  	s4 =	simm.s32 $0x0;
	s19 =	sadd.s32 s8, s18;
	[sflag:s25] =	ssyncadd.s32 $0xFFFFFB00  }
0x92: {  	[tilespmem:s26], [sflag:$0x3] =	stream.linear.gather [hbm4b:s19+s4], $0x50, $0x38;
	[tilespmem:$0x1D250] =	vst v63  }
0x93: {  	_ =	swait.ge [sflag:s14], $0x50  }
0x94: {  	[sflag:s14] =	ssyncset.done $0x0  }
0x95: {  	s18 =	sadd.s32 s9, s18;
	[sflag:s14] =	ssyncadd.s32 $0xFFFFFFB0  }
0x96: {  	[tilespmem:s28], [sflag:$0x3] =	stream.linear.gather [hbm4b:s18+s4], $0x50, $0x38;
	[tilespmem:$0x1D250] =	vst v63  }
0x97: {  	_ =	swait.ge [sflag:s14], $0x50  }
0x98: {  	v9 =	vmov s4;
	[sflag:s14] =	ssyncset.done $0x0  }
0x99: {  	v10 =	vshll.u32 v9, $0x4;
	[sflag:s14] =	ssyncadd.s32 $0xFFFFFFB0  }
0x9a: {  	v11 =	vor.u32 v0, v10;
	[tilespmem:s29], [sflag:$0x2] =	stream.indirect.gather [hbm4b:s1+s22], $0x80, s26, s22, $0xb8;
	[tilespmem:$0x1D250] =	vst v63  }
0x9b: {  	_ = 	snop  }
0x9c: {  	[tilespmem:s30], [sflag:$0x2] =	stream.indirect.gather [hbm4b:s6+s22], $0x10, s26, s22, $0xb8;
	[tilespmem:$0x1D250] =	vst v63  }
0x9d: {  	_ = 	snop  }
0x9e: {  	[tilespmem:s31], [sflag:$0x2] =	stream.indirect.gather [hbm4b:s7+s22], $0x10, s28, s22, $0xb8;
	[tilespmem:$0x1D250] =	vst v63  }
0x9f: {  	v12 =	vld.idx.msk [tilespmem:v11+s23+$0x0], $0xffff  }
0xa0: {  	v13 =	vld.idx.msk [tilespmem:v11+s24+$0x0], $0xffff;
	_ =	sdelay $0x4  }
0xa1: {  	v12 =	vadd.f32 v13, v12;
	_ =	sdelay $0x1  }
0xa2: {  	v13 =	vmul.f32 $2.000000030e-01, v12  }
0xa3: {  	vm1 =	vge.f32 v12, $0.0e+00  }
0xa4: {  	v12 =	vsel vm1, v12, v13  }
0xa5: {  	v12 =	vsub.f32 v12, v8;
	_ =	sdelay $0x1  }
0xa6: {  	v12 =	vmul.f32 $1.442695020e+00, v12;
	_ =	sdelay $0x1  }
0xa7: {  	(erf) = vpow2.f32 v12;
	_ =	sdelay $0x6  }
0xa8: {  	v9 =	vshll.u32 v9, $0x7  }
0xa9: {  	v12 =	vor.u32 v0, v9  }
0xaa: {  	v13 =	vpop (erf)  }
0xab: {  	v13 =	vnsel vm0, $0x0, v13  }
0xac: {  	[tilespmem:v11+s17+$0x0] =	vst.idx.msk $0xffff, v13  }
0xad: {  	v11 =	vld.idx.msk [tilespmem:v10+s17+$0x0], $0xffff  }
0xae: {  	v13 =	vld.idx.msk [tilespmem:v12+s13+$0x0], $0xffff;
	_ =	sdelay $0x2  }
0xaf: {  	v14 =	vor.u32 v1, v9;
	_ =	sdelay $0x1  }
0xb0: {  	v13 =	vmul.f32 v13, v11;
	_ =	sdelay $0x1  }
0xb1: {  	[tilespmem:v12+s13+$0x0] =	vst.idx.msk $0xffff, v13  }
0xb2: {  	v12 =	vld.idx.msk [tilespmem:v14+s13+$0x0], $0xffff;
	_ =	sdelay $0x2  }
0xb3: {  	v13 =	vor.u32 $0x1, v10  }
0xb4: {  	v15 =	vor.u32 v2, v9  }
0xb5: {  	v11 =	vmul.f32 v12, v11;
	_ =	sdelay $0x1  }
0xb6: {  	[tilespmem:v14+s13+$0x0] =	vst.idx.msk $0xffff, v11  }
0xb7: {  	v11 =	vld.idx.msk [tilespmem:v13+s17+$0x0], $0xffff  }
0xb8: {  	v12 =	vld.idx.msk [tilespmem:v15+s13+$0x0], $0xffff;
	_ =	sdelay $0x2  }
0xb9: {  	v13 =	vor.u32 v3, v9;
	_ =	sdelay $0x1  }
0xba: {  	v12 =	vmul.f32 v12, v11;
	_ =	sdelay $0x1  }
0xbb: {  	[tilespmem:v15+s13+$0x0] =	vst.idx.msk $0xffff, v12  }
0xbc: {  	v12 =	vld.idx.msk [tilespmem:v13+s13+$0x0], $0xffff;
	_ =	sdelay $0x2  }
0xbd: {  	v14 =	vor.u32 $0x2, v10  }
0xbe: {  	v15 =	vor.u32 v4, v9  }
0xbf: {  	v11 =	vmul.f32 v12, v11;
	_ =	sdelay $0x1  }
0xc0: {  	[tilespmem:v13+s13+$0x0] =	vst.idx.msk $0xffff, v11  }
0xc1: {  	v11 =	vld.idx.msk [tilespmem:v14+s17+$0x0], $0xffff  }
0xc2: {  	v12 =	vld.idx.msk [tilespmem:v15+s13+$0x0], $0xffff;
	_ =	sdelay $0x2  }
0xc3: {  	v13 =	vor.u32 v5, v9;
	_ =	sdelay $0x1  }
0xc4: {  	v12 =	vmul.f32 v12, v11;
	_ =	sdelay $0x1  }
0xc5: {  	[tilespmem:v15+s13+$0x0] =	vst.idx.msk $0xffff, v12  }
0xc6: {  	v12 =	vld.idx.msk [tilespmem:v13+s13+$0x0], $0xffff;
	_ =	sdelay $0x2  }
0xc7: {  	v10 =	vor.u32 $0x3, v10  }
0xc8: {  	v14 =	vor.u32 v6, v9  }
0xc9: {  	v11 =	vmul.f32 v12, v11;
	_ =	sdelay $0x1  }
0xca: {  	[tilespmem:v13+s13+$0x0] =	vst.idx.msk $0xffff, v11  }
0xcb: {  	v12 =	vld.idx.msk [tilespmem:v10+s17+$0x0], $0xffff  }
0xcc: {  	v10 =	vld.idx.msk [tilespmem:v14+s13+$0x0], $0xffff;
	_ =	sdelay $0x2  }
0xcd: {  	v11 =	vor.u32 v7, v9;
	_ =	sdelay $0x1  }
0xce: {  	v9 =	vmul.f32 v10, v12;
	_ =	sdelay $0x1  }
0xcf: {  	[tilespmem:v14+s13+$0x0] =	vst.idx.msk $0xffff, v9  }
0xd0: {  	s19 =	simm.s32 $0x1;
	v13 =	vld.idx.msk [tilespmem:v11+s13+$0x0], $0xffff  }
0xd1: {  	s18 =	simm.s32 $0x2;
	v10 =	vmov s19  }
.LBB2_3:
0xd2: {  	p0 =	sne.s32 s18, $0x4F;
	v9 =	vshll.u32 v10, $0x4;
	s19 =	smov.u32 s18;
	s18 =	sadd.s32 $0x1, s18  }
0xd3: {  	v14 =	vor.u32 v0, v9;
	_ =	sdelay $0x1  }
0xd4: {  	v12 =	vmul.f32 v13, v12;
	_ =	sdelay $0x1  }
0xd5: {  	[tilespmem:v11+s13+$0x0] =	vst.idx.msk $0xffff, v12  }
0xd6: {  	v11 =	vld.idx.msk [tilespmem:v14+s23+$0x0], $0xffff  }
0xd7: {  	v12 =	vld.idx.msk [tilespmem:v14+s24+$0x0], $0xffff;
	_ =	sdelay $0x5  }
0xd8: {  	v11 =	vadd.f32 v12, v11;
	_ =	sdelay $0x1  }
0xd9: {  	vm1 =	vge.f32 v11, $0.0e+00;
	v12 =	vmul.f32 $2.000000030e-01, v11;
	_ =	sdelay $0x1  }
0xda: {  	v11 =	vsel vm1, v11, v12  }
0xdb: {  	v11 =	vsub.f32 v11, v8;
	_ =	sdelay $0x1  }
0xdc: {  	v11 =	vmul.f32 $1.442695020e+00, v11;
	_ =	sdelay $0x1  }
0xdd: {  	(erf) = vpow2.f32 v11;
	_ =	sdelay $0x5  }
0xde: {  	v10 =	vshll.u32 v10, $0x7  }
0xdf: {  	v11 =	vor.u32 v0, v10;
	_ =	sdelay $0x1  }
0xe0: {  	v12 =	vpop (erf)  }
0xe1: {  	v12 =	vnsel vm0, $0x0, v12  }
0xe2: {  	[tilespmem:v14+s17+$0x0] =	vst.idx.msk $0xffff, v12  }
0xe3: {  	v12 =	vld.idx.msk [tilespmem:v9+s17+$0x0], $0xffff  }
0xe4: {  	v13 =	vld.idx.msk [tilespmem:v11+s13+$0x0], $0xffff;
	_ =	sdelay $0x1  }
0xe5: {  	v14 =	vor.u32 v1, v10;
	_ =	sdelay $0x3  }
0xe6: {  	v13 =	vmul.f32 v13, v12;
	_ =	sdelay $0x1  }
0xe7: {  	[tilespmem:v11+s13+$0x0] =	vst.idx.msk $0xffff, v13  }
0xe8: {  	v11 =	vld.idx.msk [tilespmem:v14+s13+$0x0], $0xffff;
	_ =	sdelay $0x3  }
0xe9: {  	v15 =	vor.u32 v2, v10;
	v13 =	vor.u32 $0x1, v9;
	_ =	sdelay $0x1  }
0xea: {  	v11 =	vmul.f32 v11, v12;
	_ =	sdelay $0x1  }
0xeb: {  	[tilespmem:v14+s13+$0x0] =	vst.idx.msk $0xffff, v11  }
0xec: {  	v11 =	vld.idx.msk [tilespmem:v13+s17+$0x0], $0xffff  }
0xed: {  	v12 =	vld.idx.msk [tilespmem:v15+s13+$0x0], $0xffff  }
0xee: {  	v13 =	vor.u32 v3, v10;
	_ =	sdelay $0x4  }
0xef: {  	v12 =	vmul.f32 v12, v11;
	_ =	sdelay $0x1  }
0xf0: {  	[tilespmem:v15+s13+$0x0] =	vst.idx.msk $0xffff, v12  }
0xf1: {  	v12 =	vld.idx.msk [tilespmem:v13+s13+$0x0], $0xffff;
	_ =	sdelay $0x3  }
0xf2: {  	v14 =	vor.u32 $0x2, v9;
	v15 =	vor.u32 v4, v10;
	_ =	sdelay $0x1  }
0xf3: {  	v11 =	vmul.f32 v12, v11;
	_ =	sdelay $0x1  }
0xf4: {  	[tilespmem:v13+s13+$0x0] =	vst.idx.msk $0xffff, v11  }
0xf5: {  	v11 =	vld.idx.msk [tilespmem:v14+s17+$0x0], $0xffff  }
0xf6: {  	v13 =	vor.u32 v5, v10;
	v12 =	vld.idx.msk [tilespmem:v15+s13+$0x0], $0xffff;
	_ =	sdelay $0x5  }
0xf7: {  	v12 =	vmul.f32 v12, v11;
	_ =	sdelay $0x1  }
0xf8: {  	[tilespmem:v15+s13+$0x0] =	vst.idx.msk $0xffff, v12  }
0xf9: {  	v12 =	vld.idx.msk [tilespmem:v13+s13+$0x0], $0xffff;
	_ =	sdelay $0x3  }
0xfa: {  	v9 =	vor.u32 $0x3, v9;
	v14 =	vor.u32 v6, v10;
	_ =	sdelay $0x1  }
0xfb: {  	v11 =	vmul.f32 v12, v11;
	_ =	sdelay $0x1  }
0xfc: {  	[tilespmem:v13+s13+$0x0] =	vst.idx.msk $0xffff, v11  }
0xfd: {  	v11 =	vor.u32 v7, v10;
	v12 =	vld.idx.msk [tilespmem:v9+s17+$0x0], $0xffff  }
0xfe: {  	v9 =	vld.idx.msk [tilespmem:v14+s13+$0x0], $0xffff;
	_ =	sdelay $0x5  }
0xff: {  	v9 =	vmul.f32 v9, v12  }
.Ltmp0:
0x100: {  	(pc) =	sbr.rel @p0 .LBB2_3-.Ltmp0, $3  }
0x101: {  	[tilespmem:v14+s13+$0x0] =	vst.idx.msk $0xffff, v9  }
0x102: {  	v13 =	vld.idx.msk [tilespmem:v11+s13+$0x0], $0xffff;
	_ =	sdelay $0x1  }
0x103: {  	v10 =	vmov s19  }
0x104: {  	v9 =	vshll.u32 v10, $0x4  }
0x105: {  	v14 =	vor.u32 v0, v9;
	_ =	sdelay $0x1  }
0x106: {  	v12 =	vmul.f32 v13, v12;
	_ =	sdelay $0x1  }
0x107: {  	[tilespmem:v11+s13+$0x0] =	vst.idx.msk $0xffff, v12  }
0x108: {  	v11 =	vld.idx.msk [tilespmem:v14+s23+$0x0], $0xffff  }
0x109: {  	v12 =	vld.idx.msk [tilespmem:v14+s24+$0x0], $0xffff;
	_ =	sdelay $0x4  }
0x10a: {  	v11 =	vadd.f32 v12, v11;
	_ =	sdelay $0x1  }
0x10b: {  	v12 =	vmul.f32 $2.000000030e-01, v11  }
0x10c: {  	vm1 =	vge.f32 v11, $0.0e+00  }
0x10d: {  	v11 =	vsel vm1, v11, v12  }
0x10e: {  	v11 =	vsub.f32 v11, v8;
	_ =	sdelay $0x1  }
0x10f: {  	v11 =	vmul.f32 $1.442695020e+00, v11;
	_ =	sdelay $0x1  }
0x110: {  	(erf) = vpow2.f32 v11;
	_ =	sdelay $0x6  }
0x111: {  	v10 =	vshll.u32 v10, $0x7  }
0x112: {  	v11 =	vor.u32 v0, v10  }
0x113: {  	v12 =	vpop (erf)  }
0x114: {  	v12 =	vnsel vm0, $0x0, v12  }
0x115: {  	[tilespmem:v14+s17+$0x0] =	vst.idx.msk $0xffff, v12  }
0x116: {  	v12 =	vld.idx.msk [tilespmem:v9+s17+$0x0], $0xffff  }
0x117: {  	v13 =	vld.idx.msk [tilespmem:v11+s13+$0x0], $0xffff;
	_ =	sdelay $0x2  }
0x118: {  	v14 =	vor.u32 v1, v10;
	_ =	sdelay $0x1  }
0x119: {  	v13 =	vmul.f32 v13, v12;
	_ =	sdelay $0x1  }
0x11a: {  	[tilespmem:v11+s13+$0x0] =	vst.idx.msk $0xffff, v13  }
0x11b: {  	v11 =	vld.idx.msk [tilespmem:v14+s13+$0x0], $0xffff;
	_ =	sdelay $0x2  }
0x11c: {  	v13 =	vor.u32 $0x1, v9  }
0x11d: {  	v15 =	vor.u32 v2, v10  }
0x11e: {  	v11 =	vmul.f32 v11, v12;
	_ =	sdelay $0x1  }
0x11f: {  	[tilespmem:v14+s13+$0x0] =	vst.idx.msk $0xffff, v11  }
0x120: {  	v11 =	vld.idx.msk [tilespmem:v13+s17+$0x0], $0xffff  }
0x121: {  	v12 =	vld.idx.msk [tilespmem:v15+s13+$0x0], $0xffff;
	_ =	sdelay $0x2  }
0x122: {  	v13 =	vor.u32 v3, v10;
	_ =	sdelay $0x1  }
0x123: {  	v12 =	vmul.f32 v12, v11;
	_ =	sdelay $0x1  }
0x124: {  	[tilespmem:v15+s13+$0x0] =	vst.idx.msk $0xffff, v12  }
0x125: {  	v12 =	vld.idx.msk [tilespmem:v13+s13+$0x0], $0xffff;
	_ =	sdelay $0x2  }
0x126: {  	v14 =	vor.u32 $0x2, v9  }
0x127: {  	v15 =	vor.u32 v4, v10  }
0x128: {  	v11 =	vmul.f32 v12, v11;
	_ =	sdelay $0x1  }
0x129: {  	[tilespmem:v13+s13+$0x0] =	vst.idx.msk $0xffff, v11  }
0x12a: {  	v11 =	vld.idx.msk [tilespmem:v14+s17+$0x0], $0xffff  }
0x12b: {  	v12 =	vld.idx.msk [tilespmem:v15+s13+$0x0], $0xffff;
	_ =	sdelay $0x2  }
0x12c: {  	v13 =	vor.u32 v5, v10;
	_ =	sdelay $0x1  }
0x12d: {  	v12 =	vmul.f32 v12, v11;
	_ =	sdelay $0x1  }
0x12e: {  	[tilespmem:v15+s13+$0x0] =	vst.idx.msk $0xffff, v12  }
0x12f: {  	v12 =	vld.idx.msk [tilespmem:v13+s13+$0x0], $0xffff;
	_ =	sdelay $0x2  }
0x130: {  	v9 =	vor.u32 $0x3, v9  }
0x131: {  	v14 =	vor.u32 v6, v10  }
0x132: {  	v11 =	vmul.f32 v12, v11;
	_ =	sdelay $0x1  }
0x133: {  	[tilespmem:v13+s13+$0x0] =	vst.idx.msk $0xffff, v11  }
0x134: {  	v9 =	vld.idx.msk [tilespmem:v9+s17+$0x0], $0xffff  }
0x135: {  	v11 =	vld.idx.msk [tilespmem:v14+s13+$0x0], $0xffff;
	_ =	sdelay $0x2  }
0x136: {  	v10 =	vor.u32 v7, v10;
	_ =	sdelay $0x1  }
0x137: {  	v11 =	vmul.f32 v11, v9;
	_ =	sdelay $0x1  }
0x138: {  	[tilespmem:v14+s13+$0x0] =	vst.idx.msk $0xffff, v11  }
0x139: {  	v11 =	vld.idx.msk [tilespmem:v10+s13+$0x0], $0xffff;
	_ =	sdelay $0x4  }
0x13a: {  	v9 =	vmul.f32 v11, v9;
	_ =	sdelay $0x1  }
0x13b: {  	[tilespmem:v10+s13+$0x0] =	vst.idx.msk $0xffff, v9  }
0x13c: {  	[spmem:s2] =	stream.indirect.scatter.add.f32 [tilespmem:s13], [sflag:$0x3], $0x80, s21, s22, $0xb8;
	[tilespmem:$0x1D250] =	vst v63  }
0x13d: {  	_ =	swait.ge [sflag:s14], $0x2800  }
0x13e: {  	[sflag:s14] =	ssyncset.done $0x0  }
0x13f: {  	[sflag:s14] =	ssyncadd.s32 $0xFFFFD800  }
0x140: {  	[spmem:s3] =	stream.indirect.scatter.add.f32 [tilespmem:s17], [sflag:$0x3], $0x10, s21, s22, $0xb8;
	[tilespmem:$0x1D250] =	vst v63  }
0x141: {  	_ =	swait.ge [sflag:s14], $0x500  }
0x142: {  	[sflag:s14] =	ssyncset.done $0x0  }
0x143: {  	[sflag:s14] =	ssyncadd.s32 $0xFFFFFB00  }
0x144: {  	_ =	swait.ge [sflag:s0], $0x2800  }
0x145: {  	[sflag:s0] =	ssyncset.done $0x0  }
0x146: {  	[sflag:s0] =	ssyncadd.s32 $0xFFFFD800  }
0x147: {  	_ =	swait.ge [sflag:s0], $0x500  }
0x148: {  	[sflag:s0] =	ssyncset.done $0x0  }
0x149: {  	s4 =	sadd.s32 s12, s16;
	[sflag:s0] =	ssyncadd.s32 $0xFFFFFB00  }
0x14a: {  	s4 =	smul.u32 $0xA, s4;
	_ =	swait.ge [sflag:s0], $0x500  }
0x14b: {  	[sflag:s0] =	ssyncset.done $0x0  }
0x14c: {  	s18 =	simm.s32 $0x0;
	s19 =	sadd.s32 s8, s4;
	[sflag:s0] =	ssyncadd.s32 $0xFFFFFB00  }
0x14d: {  	[tilespmem:s20], [sflag:$0x3] =	stream.linear.gather [hbm4b:s19+s18], $0x50, $0x38;
	[tilespmem:$0x1D250] =	vst v63  }
0x14e: {  	_ =	swait.ge [sflag:s14], $0x50  }
0x14f: {  	[sflag:s14] =	ssyncset.done $0x0  }
0x150: {  	s4 =	sadd.s32 s9, s4;
	[sflag:s14] =	ssyncadd.s32 $0xFFFFFFB0  }
0x151: {  	[tilespmem:s21], [sflag:$0x3] =	stream.linear.gather [hbm4b:s4+s18], $0x50, $0x38;
	[tilespmem:$0x1D250] =	vst v63  }
0x152: {  	_ =	swait.ge [sflag:s14], $0x50  }
0x153: {  	v9 =	vmov s18;
	[sflag:s14] =	ssyncset.done $0x0  }
0x154: {  	v10 =	vshll.u32 v9, $0x4;
	[sflag:s14] =	ssyncadd.s32 $0xFFFFFFB0  }
0x155: {  	v11 =	vor.u32 v0, v10;
	[tilespmem:s13], [sflag:$0x1] =	stream.indirect.gather [hbm4b:s1+s22], $0x80, s20, s22, $0xb8;
	[tilespmem:$0x1D250] =	vst v63  }
0x156: {  	_ = 	snop  }
0x157: {  	[tilespmem:s23], [sflag:$0x1] =	stream.indirect.gather [hbm4b:s6+s22], $0x10, s20, s22, $0xb8;
	[tilespmem:$0x1D250] =	vst v63  }
0x158: {  	_ = 	snop  }
0x159: {  	[tilespmem:s24], [sflag:$0x1] =	stream.indirect.gather [hbm4b:s7+s22], $0x10, s21, s22, $0xb8;
	[tilespmem:$0x1D250] =	vst v63  }
0x15a: {  	v12 =	vld.idx.msk [tilespmem:v11+s30+$0x0], $0xffff  }
0x15b: {  	v13 =	vld.idx.msk [tilespmem:v11+s31+$0x0], $0xffff;
	_ =	sdelay $0x4  }
0x15c: {  	v12 =	vadd.f32 v13, v12;
	_ =	sdelay $0x1  }
0x15d: {  	v13 =	vmul.f32 $2.000000030e-01, v12  }
0x15e: {  	vm1 =	vge.f32 v12, $0.0e+00  }
0x15f: {  	v12 =	vsel vm1, v12, v13  }
0x160: {  	v12 =	vsub.f32 v12, v8;
	_ =	sdelay $0x1  }
0x161: {  	v12 =	vmul.f32 $1.442695020e+00, v12;
	_ =	sdelay $0x1  }
0x162: {  	(erf) = vpow2.f32 v12;
	_ =	sdelay $0x6  }
0x163: {  	v9 =	vshll.u32 v9, $0x7  }
0x164: {  	v12 =	vor.u32 v0, v9  }
0x165: {  	v13 =	vpop (erf)  }
0x166: {  	v13 =	vnsel vm0, $0x0, v13  }
0x167: {  	[tilespmem:v11+s17+$0x0] =	vst.idx.msk $0xffff, v13  }
0x168: {  	v11 =	vld.idx.msk [tilespmem:v10+s17+$0x0], $0xffff  }
0x169: {  	v13 =	vld.idx.msk [tilespmem:v12+s29+$0x0], $0xffff;
	_ =	sdelay $0x2  }
0x16a: {  	v14 =	vor.u32 v1, v9;
	_ =	sdelay $0x1  }
0x16b: {  	v13 =	vmul.f32 v13, v11;
	_ =	sdelay $0x1  }
0x16c: {  	[tilespmem:v12+s29+$0x0] =	vst.idx.msk $0xffff, v13  }
0x16d: {  	v12 =	vld.idx.msk [tilespmem:v14+s29+$0x0], $0xffff;
	_ =	sdelay $0x2  }
0x16e: {  	v13 =	vor.u32 $0x1, v10  }
0x16f: {  	v15 =	vor.u32 v2, v9  }
0x170: {  	v11 =	vmul.f32 v12, v11;
	_ =	sdelay $0x1  }
0x171: {  	[tilespmem:v14+s29+$0x0] =	vst.idx.msk $0xffff, v11  }
0x172: {  	v11 =	vld.idx.msk [tilespmem:v13+s17+$0x0], $0xffff  }
0x173: {  	v12 =	vld.idx.msk [tilespmem:v15+s29+$0x0], $0xffff;
	_ =	sdelay $0x2  }
0x174: {  	v13 =	vor.u32 v3, v9;
	_ =	sdelay $0x1  }
0x175: {  	v12 =	vmul.f32 v12, v11;
	_ =	sdelay $0x1  }
0x176: {  	[tilespmem:v15+s29+$0x0] =	vst.idx.msk $0xffff, v12  }
0x177: {  	v12 =	vld.idx.msk [tilespmem:v13+s29+$0x0], $0xffff;
	_ =	sdelay $0x2  }
0x178: {  	v14 =	vor.u32 $0x2, v10  }
0x179: {  	v15 =	vor.u32 v4, v9  }
0x17a: {  	v11 =	vmul.f32 v12, v11;
	_ =	sdelay $0x1  }
0x17b: {  	[tilespmem:v13+s29+$0x0] =	vst.idx.msk $0xffff, v11  }
0x17c: {  	v11 =	vld.idx.msk [tilespmem:v14+s17+$0x0], $0xffff  }
0x17d: {  	v12 =	vld.idx.msk [tilespmem:v15+s29+$0x0], $0xffff;
	_ =	sdelay $0x2  }
0x17e: {  	v13 =	vor.u32 v5, v9;
	_ =	sdelay $0x1  }
0x17f: {  	v12 =	vmul.f32 v12, v11;
	_ =	sdelay $0x1  }
0x180: {  	[tilespmem:v15+s29+$0x0] =	vst.idx.msk $0xffff, v12  }
0x181: {  	v12 =	vld.idx.msk [tilespmem:v13+s29+$0x0], $0xffff;
	_ =	sdelay $0x2  }
0x182: {  	v10 =	vor.u32 $0x3, v10  }
0x183: {  	v14 =	vor.u32 v6, v9  }
0x184: {  	v11 =	vmul.f32 v12, v11;
	_ =	sdelay $0x1  }
0x185: {  	[tilespmem:v13+s29+$0x0] =	vst.idx.msk $0xffff, v11  }
0x186: {  	v12 =	vld.idx.msk [tilespmem:v10+s17+$0x0], $0xffff  }
0x187: {  	v10 =	vld.idx.msk [tilespmem:v14+s29+$0x0], $0xffff;
	_ =	sdelay $0x2  }
0x188: {  	v11 =	vor.u32 v7, v9;
	_ =	sdelay $0x1  }
0x189: {  	v9 =	vmul.f32 v10, v12;
	_ =	sdelay $0x1  }
0x18a: {  	[tilespmem:v14+s29+$0x0] =	vst.idx.msk $0xffff, v9  }
0x18b: {  	s19 =	simm.s32 $0x1;
	v13 =	vld.idx.msk [tilespmem:v11+s29+$0x0], $0xffff  }
0x18c: {  	s12 =	simm.s32 $0x2;
	v10 =	vmov s19  }
.LBB2_5:
0x18d: {  	p0 =	sne.s32 s12, $0x4F;
	v9 =	vshll.u32 v10, $0x4;
	s18 =	smov.u32 s12;
	s12 =	sadd.s32 $0x1, s12  }
0x18e: {  	v14 =	vor.u32 v0, v9;
	_ =	sdelay $0x1  }
0x18f: {  	v12 =	vmul.f32 v13, v12;
	_ =	sdelay $0x1  }
0x190: {  	[tilespmem:v11+s29+$0x0] =	vst.idx.msk $0xffff, v12  }
0x191: {  	v11 =	vld.idx.msk [tilespmem:v14+s30+$0x0], $0xffff  }
0x192: {  	v12 =	vld.idx.msk [tilespmem:v14+s31+$0x0], $0xffff;
	_ =	sdelay $0x5  }
0x193: {  	v11 =	vadd.f32 v12, v11;
	_ =	sdelay $0x1  }
0x194: {  	vm1 =	vge.f32 v11, $0.0e+00;
	v12 =	vmul.f32 $2.000000030e-01, v11;
	_ =	sdelay $0x1  }
0x195: {  	v11 =	vsel vm1, v11, v12  }
0x196: {  	v11 =	vsub.f32 v11, v8;
	_ =	sdelay $0x1  }
0x197: {  	v11 =	vmul.f32 $1.442695020e+00, v11;
	_ =	sdelay $0x1  }
0x198: {  	(erf) = vpow2.f32 v11;
	_ =	sdelay $0x5  }
0x199: {  	v10 =	vshll.u32 v10, $0x7  }
0x19a: {  	v11 =	vor.u32 v0, v10;
	_ =	sdelay $0x1  }
0x19b: {  	v12 =	vpop (erf)  }
0x19c: {  	v12 =	vnsel vm0, $0x0, v12  }
0x19d: {  	[tilespmem:v14+s17+$0x0] =	vst.idx.msk $0xffff, v12  }
0x19e: {  	v12 =	vld.idx.msk [tilespmem:v9+s17+$0x0], $0xffff  }
0x19f: {  	v13 =	vld.idx.msk [tilespmem:v11+s29+$0x0], $0xffff;
	_ =	sdelay $0x1  }
0x1a0: {  	v14 =	vor.u32 v1, v10;
	_ =	sdelay $0x3  }
0x1a1: {  	v13 =	vmul.f32 v13, v12;
	_ =	sdelay $0x1  }
0x1a2: {  	[tilespmem:v11+s29+$0x0] =	vst.idx.msk $0xffff, v13  }
0x1a3: {  	v11 =	vld.idx.msk [tilespmem:v14+s29+$0x0], $0xffff;
	_ =	sdelay $0x3  }
0x1a4: {  	v15 =	vor.u32 v2, v10;
	v13 =	vor.u32 $0x1, v9;
	_ =	sdelay $0x1  }
0x1a5: {  	v11 =	vmul.f32 v11, v12;
	_ =	sdelay $0x1  }
0x1a6: {  	[tilespmem:v14+s29+$0x0] =	vst.idx.msk $0xffff, v11  }
0x1a7: {  	v11 =	vld.idx.msk [tilespmem:v13+s17+$0x0], $0xffff  }
0x1a8: {  	v12 =	vld.idx.msk [tilespmem:v15+s29+$0x0], $0xffff  }
0x1a9: {  	v13 =	vor.u32 v3, v10;
	_ =	sdelay $0x4  }
0x1aa: {  	v12 =	vmul.f32 v12, v11;
	_ =	sdelay $0x1  }
0x1ab: {  	[tilespmem:v15+s29+$0x0] =	vst.idx.msk $0xffff, v12  }
0x1ac: {  	v12 =	vld.idx.msk [tilespmem:v13+s29+$0x0], $0xffff;
	_ =	sdelay $0x3  }
0x1ad: {  	v14 =	vor.u32 $0x2, v9;
	v15 =	vor.u32 v4, v10;
	_ =	sdelay $0x1  }
0x1ae: {  	v11 =	vmul.f32 v12, v11;
	_ =	sdelay $0x1  }
0x1af: {  	[tilespmem:v13+s29+$0x0] =	vst.idx.msk $0xffff, v11  }
0x1b0: {  	v11 =	vld.idx.msk [tilespmem:v14+s17+$0x0], $0xffff  }
0x1b1: {  	v13 =	vor.u32 v5, v10;
	v12 =	vld.idx.msk [tilespmem:v15+s29+$0x0], $0xffff;
	_ =	sdelay $0x5  }
0x1b2: {  	v12 =	vmul.f32 v12, v11;
	_ =	sdelay $0x1  }
0x1b3: {  	[tilespmem:v15+s29+$0x0] =	vst.idx.msk $0xffff, v12  }
0x1b4: {  	v12 =	vld.idx.msk [tilespmem:v13+s29+$0x0], $0xffff;
	_ =	sdelay $0x3  }
0x1b5: {  	v9 =	vor.u32 $0x3, v9;
	v14 =	vor.u32 v6, v10;
	_ =	sdelay $0x1  }
0x1b6: {  	v11 =	vmul.f32 v12, v11;
	_ =	sdelay $0x1  }
0x1b7: {  	[tilespmem:v13+s29+$0x0] =	vst.idx.msk $0xffff, v11  }
0x1b8: {  	v11 =	vor.u32 v7, v10;
	v12 =	vld.idx.msk [tilespmem:v9+s17+$0x0], $0xffff  }
0x1b9: {  	v9 =	vld.idx.msk [tilespmem:v14+s29+$0x0], $0xffff;
	_ =	sdelay $0x5  }
0x1ba: {  	v9 =	vmul.f32 v9, v12  }
.Ltmp1:
0x1bb: {  	(pc) =	sbr.rel @p0 .LBB2_5-.Ltmp1, $3  }
0x1bc: {  	[tilespmem:v14+s29+$0x0] =	vst.idx.msk $0xffff, v9  }
0x1bd: {  	v13 =	vld.idx.msk [tilespmem:v11+s29+$0x0], $0xffff;
	_ =	sdelay $0x1  }
0x1be: {  	v10 =	vmov s18  }
0x1bf: {  	v9 =	vshll.u32 v10, $0x4  }
0x1c0: {  	v14 =	vor.u32 v0, v9;
	_ =	sdelay $0x1  }
0x1c1: {  	v12 =	vmul.f32 v13, v12;
	_ =	sdelay $0x1  }
0x1c2: {  	[tilespmem:v11+s29+$0x0] =	vst.idx.msk $0xffff, v12  }
0x1c3: {  	v11 =	vld.idx.msk [tilespmem:v14+s30+$0x0], $0xffff  }
0x1c4: {  	v12 =	vld.idx.msk [tilespmem:v14+s31+$0x0], $0xffff;
	_ =	sdelay $0x4  }
0x1c5: {  	v11 =	vadd.f32 v12, v11;
	_ =	sdelay $0x1  }
0x1c6: {  	v12 =	vmul.f32 $2.000000030e-01, v11  }
0x1c7: {  	vm1 =	vge.f32 v11, $0.0e+00  }
0x1c8: {  	v11 =	vsel vm1, v11, v12  }
0x1c9: {  	v11 =	vsub.f32 v11, v8;
	_ =	sdelay $0x1  }
0x1ca: {  	v11 =	vmul.f32 $1.442695020e+00, v11;
	_ =	sdelay $0x1  }
0x1cb: {  	(erf) = vpow2.f32 v11;
	_ =	sdelay $0x6  }
0x1cc: {  	v10 =	vshll.u32 v10, $0x7  }
0x1cd: {  	v11 =	vor.u32 v0, v10  }
0x1ce: {  	v53 =	vpop (erf)  }
0x1cf: {  	v12 =	vnsel vm0, $0x0, v53  }
0x1d0: {  	[tilespmem:v14+s17+$0x0] =	vst.idx.msk $0xffff, v12  }
0x1d1: {  	v12 =	vld.idx.msk [tilespmem:v9+s17+$0x0], $0xffff  }
0x1d2: {  	v54 =	vld.idx.msk [tilespmem:v11+s29+$0x0], $0xffff;
	_ =	sdelay $0x2  }
0x1d3: {  	v55 =	vor.u32 v1, v10;
	_ =	sdelay $0x1  }
0x1d4: {  	v13 =	vmul.f32 v54, v12;
	_ =	sdelay $0x1  }
0x1d5: {  	[tilespmem:v11+s29+$0x0] =	vst.idx.msk $0xffff, v13  }
0x1d6: {  	v11 =	vld.idx.msk [tilespmem:v55+s29+$0x0], $0xffff;
	_ =	sdelay $0x2  }
0x1d7: {  	v56 =	vor.u32 $0x1, v9  }
0x1d8: {  	v15 =	vor.u32 v2, v10  }
0x1d9: {  	v11 =	vmul.f32 v11, v12;
	_ =	sdelay $0x1  }
0x1da: {  	[tilespmem:v55+s29+$0x0] =	vst.idx.msk $0xffff, v11  }
0x1db: {  	v11 =	vld.idx.msk [tilespmem:v56+s17+$0x0], $0xffff  }
0x1dc: {  	v57 =	vld.idx.msk [tilespmem:v15+s29+$0x0], $0xffff;
	_ =	sdelay $0x2  }
0x1dd: {  	v58 =	vor.u32 v3, v10;
	_ =	sdelay $0x1  }
0x1de: {  	v12 =	vmul.f32 v57, v11;
	_ =	sdelay $0x1  }
0x1df: {  	[tilespmem:v15+s29+$0x0] =	vst.idx.msk $0xffff, v12  }
0x1e0: {  	v12 =	vld.idx.msk [tilespmem:v58+s29+$0x0], $0xffff;
	_ =	sdelay $0x2  }
0x1e1: {  	v59 =	vor.u32 $0x2, v9  }
0x1e2: {  	v60 =	vor.u32 v4, v10  }
0x1e3: {  	v11 =	vmul.f32 v12, v11;
	_ =	sdelay $0x1  }
0x1e4: {  	[tilespmem:v58+s29+$0x0] =	vst.idx.msk $0xffff, v11  }
0x1e5: {  	v11 =	vld.idx.msk [tilespmem:v59+s17+$0x0], $0xffff  }
0x1e6: {  	v61 =	vld.idx.msk [tilespmem:v60+s29+$0x0], $0xffff;
	_ =	sdelay $0x2  }
0x1e7: {  	v62 =	vor.u32 v5, v10;
	_ =	sdelay $0x1  }
0x1e8: {  	v12 =	vmul.f32 v61, v11;
	_ =	sdelay $0x1  }
0x1e9: {  	[tilespmem:v60+s29+$0x0] =	vst.idx.msk $0xffff, v12  }
0x1ea: {  	v12 =	vld.idx.msk [tilespmem:v62+s29+$0x0], $0xffff;
	_ =	sdelay $0x2  }
0x1eb: {  	v9 =	vor.u32 $0x3, v9  }
0x1ec: {  	v63 =	vor.u32 v6, v10  }
0x1ed: {  	v11 =	vmul.f32 v12, v11;
	_ =	sdelay $0x1  }
0x1ee: {  	[tilespmem:v62+s29+$0x0] =	vst.idx.msk $0xffff, v11  }
0x1ef: {  	v9 =	vld.idx.msk [tilespmem:v9+s17+$0x0], $0xffff  }
0x1f0: {  	v11 =	vld.idx.msk [tilespmem:v63+s29+$0x0], $0xffff;
	_ =	sdelay $0x2  }
0x1f1: {  	v10 =	vor.u32 v7, v10;
	_ =	sdelay $0x1  }
0x1f2: {  	v11 =	vmul.f32 v11, v9;
	_ =	sdelay $0x1  }
0x1f3: {  	[tilespmem:v63+s29+$0x0] =	vst.idx.msk $0xffff, v11  }
0x1f4: {  	v11 =	vld.idx.msk [tilespmem:v10+s29+$0x0], $0xffff;
	_ =	sdelay $0x4  }
0x1f5: {  	v9 =	vmul.f32 v11, v9;
	_ =	sdelay $0x1  }
0x1f6: {  	[tilespmem:v10+s29+$0x0] =	vst.idx.msk $0xffff, v9  }
0x1f7: {  	[spmem:s2] =	stream.indirect.scatter.add.f32 [tilespmem:s29], [sflag:$0x3], $0x80, s28, s22, $0xb8;
	[tilespmem:$0x1D250] =	vst v63  }
0x1f8: {  	s10 =	sadd.s32 $0x1, s10;
	_ =	swait.ge [sflag:s14], $0x2800  }
0x1f9: {  	p0 =	sne.s32 s10, $0x3E;
	[sflag:s14] =	ssyncset.done $0x0  }
.Ltmp2:
0x1fa: {  	[sflag:s14] =	ssyncadd.s32 $0xFFFFD800;
	(pc) =	sbr.rel @p0 .LBB2_2-.Ltmp2, $4  }
0x1fb: {  	[spmem:s3] =	stream.indirect.scatter.add.f32 [tilespmem:s17], [sflag:$0x3], $0x10, s28, s22, $0xb8;
	[tilespmem:$0x1D250] =	vst v63  }
0x1fc: {  	_ =	swait.ge [sflag:s14], $0x500  }
0x1fd: {  	[sflag:s14] =	ssyncset.done $0x0  }
0x1fe: {  	[sflag:s14] =	ssyncadd.s32 $0xFFFFFB00  }
0x1ff: {  	_ =	swait.ge [sflag:s25], $0x2800  }
0x200: {  	s4 =	simm.s32 $0x0;
	[sflag:s25] =	ssyncset.done $0x0  }
0x201: {  	v9 =	vmov s4;
	[sflag:s25] =	ssyncadd.s32 $0xFFFFD800  }
0x202: {  	v10 =	vshll.u32 v9, $0x4;
	_ =	swait.ge [sflag:s25], $0x500  }
0x203: {  	v11 =	vor.u32 v0, v10;
	[sflag:s25] =	ssyncset.done $0x0  }
0x204: {  	[sflag:s25] =	ssyncadd.s32 $0xFFFFFB00  }
0x205: {  	_ =	swait.ge [sflag:s25], $0x500  }
0x206: {  	[sflag:s25] =	ssyncset.done $0x0  }
0x207: {  	[sflag:s25] =	ssyncadd.s32 $0xFFFFFB00  }
0x208: {  	v12 =	vld.idx.msk [tilespmem:v11+s23+$0x0], $0xffff  }
0x209: {  	v13 =	vld.idx.msk [tilespmem:v11+s24+$0x0], $0xffff;
	_ =	sdelay $0x4  }
0x20a: {  	v12 =	vadd.f32 v13, v12;
	_ =	sdelay $0x1  }
0x20b: {  	v13 =	vmul.f32 $2.000000030e-01, v12  }
0x20c: {  	vm1 =	vge.f32 v12, $0.0e+00  }
0x20d: {  	v12 =	vsel vm1, v12, v13  }
0x20e: {  	v12 =	vsub.f32 v12, v8;
	_ =	sdelay $0x1  }
0x20f: {  	v12 =	vmul.f32 $1.442695020e+00, v12;
	_ =	sdelay $0x1  }
0x210: {  	(erf) = vpow2.f32 v12;
	_ =	sdelay $0x6  }
0x211: {  	v9 =	vshll.u32 v9, $0x7  }
0x212: {  	v12 =	vor.u32 v0, v9  }
0x213: {  	v13 =	vpop (erf)  }
0x214: {  	v13 =	vnsel vm0, $0x0, v13  }
0x215: {  	[tilespmem:v11+s17+$0x0] =	vst.idx.msk $0xffff, v13  }
0x216: {  	v11 =	vld.idx.msk [tilespmem:v10+s17+$0x0], $0xffff  }
0x217: {  	v13 =	vld.idx.msk [tilespmem:v12+s13+$0x0], $0xffff;
	_ =	sdelay $0x2  }
0x218: {  	v14 =	vor.u32 v1, v9;
	_ =	sdelay $0x1  }
0x219: {  	v13 =	vmul.f32 v13, v11;
	_ =	sdelay $0x1  }
0x21a: {  	[tilespmem:v12+s13+$0x0] =	vst.idx.msk $0xffff, v13  }
0x21b: {  	v12 =	vld.idx.msk [tilespmem:v14+s13+$0x0], $0xffff;
	_ =	sdelay $0x2  }
0x21c: {  	v13 =	vor.u32 $0x1, v10  }
0x21d: {  	v15 =	vor.u32 v2, v9  }
0x21e: {  	v11 =	vmul.f32 v12, v11;
	_ =	sdelay $0x1  }
0x21f: {  	[tilespmem:v14+s13+$0x0] =	vst.idx.msk $0xffff, v11  }
0x220: {  	v11 =	vld.idx.msk [tilespmem:v13+s17+$0x0], $0xffff  }
0x221: {  	v12 =	vld.idx.msk [tilespmem:v15+s13+$0x0], $0xffff;
	_ =	sdelay $0x2  }
0x222: {  	v13 =	vor.u32 v3, v9;
	_ =	sdelay $0x1  }
0x223: {  	v12 =	vmul.f32 v12, v11;
	_ =	sdelay $0x1  }
0x224: {  	[tilespmem:v15+s13+$0x0] =	vst.idx.msk $0xffff, v12  }
0x225: {  	v12 =	vld.idx.msk [tilespmem:v13+s13+$0x0], $0xffff;
	_ =	sdelay $0x2  }
0x226: {  	v14 =	vor.u32 $0x2, v10  }
0x227: {  	v15 =	vor.u32 v4, v9  }
0x228: {  	v11 =	vmul.f32 v12, v11;
	_ =	sdelay $0x1  }
0x229: {  	[tilespmem:v13+s13+$0x0] =	vst.idx.msk $0xffff, v11  }
0x22a: {  	v11 =	vld.idx.msk [tilespmem:v14+s17+$0x0], $0xffff  }
0x22b: {  	v12 =	vld.idx.msk [tilespmem:v15+s13+$0x0], $0xffff;
	_ =	sdelay $0x2  }
0x22c: {  	v13 =	vor.u32 v5, v9;
	_ =	sdelay $0x1  }
0x22d: {  	v12 =	vmul.f32 v12, v11;
	_ =	sdelay $0x1  }
0x22e: {  	[tilespmem:v15+s13+$0x0] =	vst.idx.msk $0xffff, v12  }
0x22f: {  	v12 =	vld.idx.msk [tilespmem:v13+s13+$0x0], $0xffff;
	_ =	sdelay $0x2  }
0x230: {  	v10 =	vor.u32 $0x3, v10  }
0x231: {  	v14 =	vor.u32 v6, v9  }
0x232: {  	v11 =	vmul.f32 v12, v11;
	_ =	sdelay $0x1  }
0x233: {  	[tilespmem:v13+s13+$0x0] =	vst.idx.msk $0xffff, v11  }
0x234: {  	v12 =	vld.idx.msk [tilespmem:v10+s17+$0x0], $0xffff  }
0x235: {  	v10 =	vld.idx.msk [tilespmem:v14+s13+$0x0], $0xffff;
	_ =	sdelay $0x2  }
0x236: {  	v11 =	vor.u32 v7, v9;
	_ =	sdelay $0x1  }
0x237: {  	v9 =	vmul.f32 v10, v12;
	_ =	sdelay $0x1  }
0x238: {  	[tilespmem:v14+s13+$0x0] =	vst.idx.msk $0xffff, v9  }
0x239: {  	s19 =	simm.s32 $0x1;
	v13 =	vld.idx.msk [tilespmem:v11+s13+$0x0], $0xffff  }
0x23a: {  	s10 =	simm.s32 $0x2;
	v10 =	vmov s19  }
.LBB2_8:
0x23b: {  	p0 =	sne.s32 s10, $0x4F;
	v9 =	vshll.u32 v10, $0x4;
	s12 =	smov.u32 s10;
	s10 =	sadd.s32 $0x1, s10  }
0x23c: {  	v14 =	vor.u32 v0, v9;
	_ =	sdelay $0x1  }
0x23d: {  	v12 =	vmul.f32 v13, v12;
	_ =	sdelay $0x1  }
0x23e: {  	[tilespmem:v11+s13+$0x0] =	vst.idx.msk $0xffff, v12  }
0x23f: {  	v11 =	vld.idx.msk [tilespmem:v14+s23+$0x0], $0xffff  }
0x240: {  	v12 =	vld.idx.msk [tilespmem:v14+s24+$0x0], $0xffff;
	_ =	sdelay $0x5  }
0x241: {  	v11 =	vadd.f32 v12, v11;
	_ =	sdelay $0x1  }
0x242: {  	vm1 =	vge.f32 v11, $0.0e+00;
	v12 =	vmul.f32 $2.000000030e-01, v11;
	_ =	sdelay $0x1  }
0x243: {  	v11 =	vsel vm1, v11, v12  }
0x244: {  	v11 =	vsub.f32 v11, v8;
	_ =	sdelay $0x1  }
0x245: {  	v11 =	vmul.f32 $1.442695020e+00, v11;
	_ =	sdelay $0x1  }
0x246: {  	(erf) = vpow2.f32 v11;
	_ =	sdelay $0x5  }
0x247: {  	v10 =	vshll.u32 v10, $0x7  }
0x248: {  	v11 =	vor.u32 v0, v10;
	_ =	sdelay $0x1  }
0x249: {  	v12 =	vpop (erf)  }
0x24a: {  	v12 =	vnsel vm0, $0x0, v12  }
0x24b: {  	[tilespmem:v14+s17+$0x0] =	vst.idx.msk $0xffff, v12  }
0x24c: {  	v12 =	vld.idx.msk [tilespmem:v9+s17+$0x0], $0xffff  }
0x24d: {  	v13 =	vld.idx.msk [tilespmem:v11+s13+$0x0], $0xffff;
	_ =	sdelay $0x1  }
0x24e: {  	v14 =	vor.u32 v1, v10;
	_ =	sdelay $0x3  }
0x24f: {  	v13 =	vmul.f32 v13, v12;
	_ =	sdelay $0x1  }
0x250: {  	[tilespmem:v11+s13+$0x0] =	vst.idx.msk $0xffff, v13  }
0x251: {  	v11 =	vld.idx.msk [tilespmem:v14+s13+$0x0], $0xffff;
	_ =	sdelay $0x3  }
0x252: {  	v15 =	vor.u32 v2, v10;
	v13 =	vor.u32 $0x1, v9;
	_ =	sdelay $0x1  }
0x253: {  	v11 =	vmul.f32 v11, v12;
	_ =	sdelay $0x1  }
0x254: {  	[tilespmem:v14+s13+$0x0] =	vst.idx.msk $0xffff, v11  }
0x255: {  	v11 =	vld.idx.msk [tilespmem:v13+s17+$0x0], $0xffff  }
0x256: {  	v12 =	vld.idx.msk [tilespmem:v15+s13+$0x0], $0xffff  }
0x257: {  	v13 =	vor.u32 v3, v10;
	_ =	sdelay $0x4  }
0x258: {  	v12 =	vmul.f32 v12, v11;
	_ =	sdelay $0x1  }
0x259: {  	[tilespmem:v15+s13+$0x0] =	vst.idx.msk $0xffff, v12  }
0x25a: {  	v12 =	vld.idx.msk [tilespmem:v13+s13+$0x0], $0xffff;
	_ =	sdelay $0x3  }
0x25b: {  	v14 =	vor.u32 $0x2, v9;
	v15 =	vor.u32 v4, v10;
	_ =	sdelay $0x1  }
0x25c: {  	v11 =	vmul.f32 v12, v11;
	_ =	sdelay $0x1  }
0x25d: {  	[tilespmem:v13+s13+$0x0] =	vst.idx.msk $0xffff, v11  }
0x25e: {  	v11 =	vld.idx.msk [tilespmem:v14+s17+$0x0], $0xffff  }
0x25f: {  	v13 =	vor.u32 v5, v10;
	v12 =	vld.idx.msk [tilespmem:v15+s13+$0x0], $0xffff;
	_ =	sdelay $0x5  }
0x260: {  	v12 =	vmul.f32 v12, v11;
	_ =	sdelay $0x1  }
0x261: {  	[tilespmem:v15+s13+$0x0] =	vst.idx.msk $0xffff, v12  }
0x262: {  	v12 =	vld.idx.msk [tilespmem:v13+s13+$0x0], $0xffff;
	_ =	sdelay $0x3  }
0x263: {  	v9 =	vor.u32 $0x3, v9;
	v14 =	vor.u32 v6, v10;
	_ =	sdelay $0x1  }
0x264: {  	v11 =	vmul.f32 v12, v11;
	_ =	sdelay $0x1  }
0x265: {  	[tilespmem:v13+s13+$0x0] =	vst.idx.msk $0xffff, v11  }
0x266: {  	v11 =	vor.u32 v7, v10;
	v12 =	vld.idx.msk [tilespmem:v9+s17+$0x0], $0xffff  }
0x267: {  	v9 =	vld.idx.msk [tilespmem:v14+s13+$0x0], $0xffff;
	_ =	sdelay $0x5  }
0x268: {  	v9 =	vmul.f32 v9, v12  }
.Ltmp3:
0x269: {  	(pc) =	sbr.rel @p0 .LBB2_8-.Ltmp3, $3  }
0x26a: {  	[tilespmem:v14+s13+$0x0] =	vst.idx.msk $0xffff, v9  }
0x26b: {  	v13 =	vld.idx.msk [tilespmem:v11+s13+$0x0], $0xffff;
	_ =	sdelay $0x1  }
0x26c: {  	v10 =	vmov s12  }
0x26d: {  	v9 =	vshll.u32 v10, $0x4  }
0x26e: {  	v14 =	vor.u32 v0, v9;
	_ =	sdelay $0x1  }
0x26f: {  	v12 =	vmul.f32 v13, v12;
	_ =	sdelay $0x1  }
0x270: {  	[tilespmem:v11+s13+$0x0] =	vst.idx.msk $0xffff, v12  }
0x271: {  	v11 =	vld.idx.msk [tilespmem:v14+s23+$0x0], $0xffff  }
0x272: {  	v12 =	vld.idx.msk [tilespmem:v14+s24+$0x0], $0xffff;
	_ =	sdelay $0x4  }
0x273: {  	v11 =	vadd.f32 v12, v11;
	_ =	sdelay $0x1  }
0x274: {  	v12 =	vmul.f32 $2.000000030e-01, v11  }
0x275: {  	vm1 =	vge.f32 v11, $0.0e+00  }
0x276: {  	v11 =	vsel vm1, v11, v12  }
0x277: {  	v8 =	vsub.f32 v11, v8;
	_ =	sdelay $0x1  }
0x278: {  	v8 =	vmul.f32 $1.442695020e+00, v8;
	_ =	sdelay $0x1  }
0x279: {  	(erf) = vpow2.f32 v8;
	_ =	sdelay $0x6  }
0x27a: {  	v8 =	vshll.u32 v10, $0x7  }
0x27b: {  	v10 =	vor.u32 v0, v8  }
0x27c: {  	v52 =	vpop (erf)  }
0x27d: {  	v11 =	vnsel vm0, $0x0, v52  }
0x27e: {  	[tilespmem:v14+s17+$0x0] =	vst.idx.msk $0xffff, v11  }
0x27f: {  	v11 =	vld.idx.msk [tilespmem:v9+s17+$0x0], $0xffff  }
0x280: {  	v53 =	vld.idx.msk [tilespmem:v10+s13+$0x0], $0xffff;
	_ =	sdelay $0x2  }
0x281: {  	v54 =	vor.u32 v1, v8;
	_ =	sdelay $0x1  }
0x282: {  	v12 =	vmul.f32 v53, v11;
	_ =	sdelay $0x1  }
0x283: {  	[tilespmem:v10+s13+$0x0] =	vst.idx.msk $0xffff, v12  }
0x284: {  	v10 =	vld.idx.msk [tilespmem:v54+s13+$0x0], $0xffff;
	_ =	sdelay $0x2  }
0x285: {  	v55 =	vor.u32 $0x1, v9  }
0x286: {  	v56 =	vor.u32 v2, v8  }
0x287: {  	v10 =	vmul.f32 v10, v11;
	_ =	sdelay $0x1  }
0x288: {  	[tilespmem:v54+s13+$0x0] =	vst.idx.msk $0xffff, v10  }
0x289: {  	v10 =	vld.idx.msk [tilespmem:v55+s17+$0x0], $0xffff  }
0x28a: {  	v57 =	vld.idx.msk [tilespmem:v56+s13+$0x0], $0xffff;
	_ =	sdelay $0x2  }
0x28b: {  	v58 =	vor.u32 v3, v8;
	_ =	sdelay $0x1  }
0x28c: {  	v11 =	vmul.f32 v57, v10;
	_ =	sdelay $0x1  }
0x28d: {  	[tilespmem:v56+s13+$0x0] =	vst.idx.msk $0xffff, v11  }
0x28e: {  	v11 =	vld.idx.msk [tilespmem:v58+s13+$0x0], $0xffff;
	_ =	sdelay $0x2  }
0x28f: {  	v59 =	vor.u32 $0x2, v9  }
0x290: {  	v60 =	vor.u32 v4, v8  }
0x291: {  	v10 =	vmul.f32 v11, v10;
	_ =	sdelay $0x1  }
0x292: {  	[tilespmem:v58+s13+$0x0] =	vst.idx.msk $0xffff, v10  }
0x293: {  	v10 =	vld.idx.msk [tilespmem:v59+s17+$0x0], $0xffff  }
0x294: {  	v61 =	vld.idx.msk [tilespmem:v60+s13+$0x0], $0xffff;
	_ =	sdelay $0x2  }
0x295: {  	v62 =	vor.u32 v5, v8;
	_ =	sdelay $0x1  }
0x296: {  	v11 =	vmul.f32 v61, v10;
	_ =	sdelay $0x1  }
0x297: {  	[tilespmem:v60+s13+$0x0] =	vst.idx.msk $0xffff, v11  }
0x298: {  	v11 =	vld.idx.msk [tilespmem:v62+s13+$0x0], $0xffff;
	_ =	sdelay $0x2  }
0x299: {  	v9 =	vor.u32 $0x3, v9  }
0x29a: {  	v63 =	vor.u32 v6, v8  }
0x29b: {  	v10 =	vmul.f32 v11, v10;
	_ =	sdelay $0x1  }
0x29c: {  	[tilespmem:v62+s13+$0x0] =	vst.idx.msk $0xffff, v10  }
0x29d: {  	v9 =	vld.idx.msk [tilespmem:v9+s17+$0x0], $0xffff  }
0x29e: {  	v10 =	vld.idx.msk [tilespmem:v63+s13+$0x0], $0xffff;
	_ =	sdelay $0x2  }
0x29f: {  	v8 =	vor.u32 v7, v8;
	_ =	sdelay $0x1  }
0x2a0: {  	v10 =	vmul.f32 v10, v9;
	_ =	sdelay $0x1  }
0x2a1: {  	[tilespmem:v63+s13+$0x0] =	vst.idx.msk $0xffff, v10  }
0x2a2: {  	v10 =	vld.idx.msk [tilespmem:v8+s13+$0x0], $0xffff;
	_ =	sdelay $0x4  }
0x2a3: {  	v9 =	vmul.f32 v10, v9;
	_ =	sdelay $0x1  }
0x2a4: {  	[tilespmem:v8+s13+$0x0] =	vst.idx.msk $0xffff, v9  }
0x2a5: {  	[spmem:s2] =	stream.indirect.scatter.add.f32 [tilespmem:s13], [sflag:$0x3], $0x80, s21, s22, $0xb8;
	[tilespmem:$0x1D250] =	vst v63  }
0x2a6: {  	_ =	swait.ge [sflag:s14], $0x2800  }
0x2a7: {  	[sflag:s14] =	ssyncset.done $0x0  }
0x2a8: {  	[sflag:s14] =	ssyncadd.s32 $0xFFFFD800  }
0x2a9: {  	[spmem:s3] =	stream.indirect.scatter.add.f32 [tilespmem:s17], [sflag:$0x3], $0x10, s21, s22, $0xb8;
	[tilespmem:$0x1D250] =	vst v63  }
0x2aa: {  	_ =	swait.ge [sflag:s14], $0x500  }
0x2ab: {  	[sflag:s14] =	ssyncset.done $0x0  }
0x2ac: {  	[sflag:s14] =	ssyncadd.s32 $0xFFFFFB00  }
0x2ad: {  	[bflag:$0x0] =	sbarrier.arrive $0xFFFF  }
0x2ae: {  	s19 =	rddreg [dreg:$0xb]  }
0x2af: {  	[tilespmem:s13], [sflag:$0x3] =	stream.linear.gather [spmem:s19], $0x2800, $0x38;
	[tilespmem:$0x1D250] =	vst v63  }
0x2b0: {  	_ =	swait.ge [sflag:s14], $0x2800  }
0x2b1: {  	[sflag:s14] =	ssyncset.done $0x0  }
0x2b2: {  	s12 =	rddreg [dreg:$0x1b];
	[sflag:s14] =	ssyncadd.s32 $0xFFFFD800  }
0x2b3: {  	[hbm4b:s12+s5] =	stream.linear.scatter [tilespmem:s13], [sflag:$0x3], $0x2800, $0x38;
	[tilespmem:$0x1D250] =	vst v63  }
0x2b4: {  	_ =	swait.ge [sflag:s14], $0x2800  }
0x2b5: {  	[sflag:s14] =	ssyncset.done $0x0  }
0x2b6: {  	s18 =	rddreg [dreg:$0xc];
	[sflag:s14] =	ssyncadd.s32 $0xFFFFD800  }
0x2b7: {  	[tilespmem:s17], [sflag:$0x3] =	stream.linear.gather [spmem:s18], $0x500, $0x38;
	[tilespmem:$0x1D250] =	vst v63  }
0x2b8: {  	_ =	swait.ge [sflag:s14], $0x500  }
0x2b9: {  	[sflag:s14] =	ssyncset.done $0x0  }
0x2ba: {  	s4 =	sadd.s32 $0x0, s11;
	[sflag:s14] =	ssyncadd.s32 $0xFFFFFB00  }
0x2bb: {  	[hbm4b:s4+s5] =	stream.linear.scatter [tilespmem:s17], [sflag:$0x3], $0x500, $0x38;
	[tilespmem:$0x1D250] =	vst v63  }
0x2bc: {  	_ =	swait.ge [sflag:s14], $0x500  }
0x2bd: {  	s10 =	simm.s32 $0xA0;
	s12 =	sadd.s32 $0x500, s12;
	[sflag:s14] =	ssyncset.done $0x0  }
.LBB2_10:
0x2be: {  	[sflag:s14] =	ssyncadd.s32 $0xFFFFFB00  }
0x2bf: {  	s18 =	sadd.s32 $0x500, s18;
	s19 =	sadd.s32 $0x2800, s19;
	s4 =	smov.u32 s10  }
0x2c0: {  	[tilespmem:s13], [sflag:$0x3] =	stream.linear.gather [spmem:s19], $0x2800, $0x38;
	[tilespmem:$0x1D250] =	vst v63  }
0x2c1: {  	p0 =	sne.s32 s10, $0x460;
	s10 =	sadd.s32 $0xA0, s10;
	_ =	swait.ge [sflag:s14], $0x2800  }
0x2c2: {  	[sflag:s14] =	ssyncset.done $0x0  }
0x2c3: {  	[sflag:s14] =	ssyncadd.s32 $0xFFFFD800  }
0x2c4: {  	[hbm4b:s12+s5] =	stream.linear.scatter [tilespmem:s13], [sflag:$0x3], $0x2800, $0x38;
	[tilespmem:$0x1D250] =	vst v63  }
0x2c5: {  	_ =	swait.ge [sflag:s14], $0x2800  }
0x2c6: {  	[sflag:s14] =	ssyncset.done $0x0  }
0x2c7: {  	[sflag:s14] =	ssyncadd.s32 $0xFFFFD800  }
0x2c8: {  	[tilespmem:s17], [sflag:$0x3] =	stream.linear.gather [spmem:s18], $0x500, $0x38;
	[tilespmem:$0x1D250] =	vst v63  }
0x2c9: {  	_ =	swait.ge [sflag:s14], $0x500  }
.Ltmp4:
0x2ca: {  	[sflag:s14] =	ssyncset.done $0x0;
	(pc) =	sbr.rel @p0 .LBB2_10-.Ltmp4, $4  }
0x2cb: {  	s4 =	sadd.s32 s4, s11;
	[sflag:s14] =	ssyncadd.s32 $0xFFFFFB00  }
0x2cc: {  	[hbm4b:s4+s5] =	stream.linear.scatter [tilespmem:s17], [sflag:$0x3], $0x500, $0x38;
	[tilespmem:$0x1D250] =	vst v63  }
0x2cd: {  	_ =	swait.ge [sflag:s14], $0x500  }
0x2ce: {  	s12 =	sadd.s32 $0x500, s12;
	[sflag:s14] =	ssyncset.done $0x0  }
0x2cf: {  	s10 =	rddreg [dreg:$0x1c]  }
0x2d0: {  	s4 =	rddreg [dreg:$0xa];
	s10 =	sadd.s32 $0x1, s10  }
0x2d1: {  	p0 =	sne.s32 s10, s4  }
.Ltmp5:
0x2d2: {  	_ = 	snop;
	(pc) =	sbr.rel @p0 .LBB2_1-.Ltmp5, $2  }
0x2d3: {  	_ =	sdelay $0x2  }
0x2d4: {  	[sflag:s14] =	ssyncadd.s32 $0xFFFFFB00  }
0x2d5: {  	_ =	sfence.sel $0x180000  }
0x2d6: {  	[bflag:$0x0] =	sbarrier.arrive $0xFFFF  }
0x2d7: {  	_ =	strace $0x90000047  }
0x2d8: {  	s0 =	stileid.u32;
	[bflag:$0x2] =	sbarrier.arrive $0xFFFF  }
0x2d9: {  	p0 =	sne.s32 s0, $0x0;
	s0 =	rddreg [dreg:$0x4]  }
0x2da: {  	s0 =	sadd.s32 @!p0 $0x100000, s0  }
0x2db: {  	[sflag:s0] =	ssyncadd.tile.s32 @!p0 $0x1;
	_ =	shalt  }
.Lfunc_end2:
_tile_overlayer_lowered:
.L_overlay_start_2:
0x2dc: {  	(tag) =	ssettag $0x2  }
0x2dd: {  	s0 =	rddreg [dreg:$0x0];
	s2 =	stileid.u32  }
0x2de: {  	s1 =	rddreg [dreg:$0x1];
	p0 =	sne.s32 s2, $0x0  }
0x2df: {  	s3 =	rddreg [dreg:$0x2];
	[bflag:$0x3] =	sbarrier.arrive $0xFFFF;
	s2 =	simm.s32 @!p0 $0x1C03  }
0x2e0: {  	[timem:s3], [sflag:s2] =	dma.local @!p0 [hbm:s0], s1  }
0x2e1: {  	s0 =	simm.s32 @!p0 $0x3  }
0x2e2: {  	_ =	swait.ge @!p0 [sflag:s0], s1  }
0x2e3: {  	s1 =	ssub.s32 @!p0 $0x0, s1;
	[sflag:s0] =	ssyncset.done @!p0 $0x0  }
0x2e4: {  	[sflag:s0] =	ssyncadd.s32 @!p0 s1  }
0x2e5: {  	[bflag:$0x3] =	sbarrier.arrive $0xFFFF  }
0x2e6: {  	_ =	shalt  }

</sc_bundles>
